<compile_context>
chip_gen: v7x
topology: tpu7x:2x2x1
jax: 0.10.2.dev20260603
libtpu: 0.0.44.dev20260713+nightly
codegen_flags: <defaults>
</compile_context>

<pallas_src>
import jax
import jax.numpy as jnp
from jax import lax
from jax.experimental import pallas as pl
from jax.experimental.pallas import tpu as pltpu
from jax.experimental.pallas import tpu_sc as plsc

N = 10000
D = 128
H = 128
C = 40
CP = 128
EPS = 1e-5

NC, NS, LANES = 2, 16, 16
NPAD = 10240
RPT = NPAD // NS
E_RAW = 320000
CHUNK = 128
EPT_CHUNKS = 80
EPT = CHUNK * EPT_CHUNKS
EPAD = EPT * NC * NS
ROWS_TOTAL = EPAD // CHUNK
ROWS_PER_SC = ROWS_TOTAL // NC

_MESH = plsc.VectorSubcoreMesh(
    core_axis_name="c", subcore_axis_name="s", num_cores=NC, num_subcores=NS)


def _deg_body(dst_hbm, ones_hbm, zeros_hbm, out_hbm, dst_v, ones_v, acc, sem):
    c = lax.axis_index("c")
    s = lax.axis_index("s")
    row0 = c * ROWS_PER_SC + s * EPT_CHUNKS
    pltpu.sync_copy(dst_hbm.at[pl.ds(row0, EPT_CHUNKS)], dst_v)
    pltpu.sync_copy(ones_hbm, ones_v)
    pltpu.sync_copy(zeros_hbm, acc.at[pl.ds(s * RPT, RPT)])
    plsc.subcore_barrier()

    def _scat(j):
        return pltpu.make_async_copy(ones_v, acc.at[dst_v.at[j]], sem)

    def body(g, carry):
        j0 = g * 8
        for b in range(8):
            _scat(j0 + b).start(add=True)
        for b in range(8):
            _scat(j0 + b).wait()
        return carry

    lax.fori_loop(0, EPT_CHUNKS // 8, body, 0)
    plsc.subcore_barrier()
    pltpu.sync_copy(acc.at[pl.ds(s * RPT, RPT)],
                    out_hbm.at[c, pl.ds(s * RPT, RPT)])


_deg_call = pl.kernel(
    _deg_body,
    out_type=jax.ShapeDtypeStruct((NC, NPAD, H), jnp.float32),
    mesh=_MESH,
    scratch_types=[
        pltpu.VMEM((EPT_CHUNKS, CHUNK), jnp.int32),
        pltpu.VMEM((CHUNK, H), jnp.float32),
        pltpu.VMEM_SHARED((NPAD, H), jnp.float32),
        pltpu.SemaphoreType.DMA,
    ],
)


_HALF = EPT_CHUNKS // 2


def _conv_body(y_hbm, src_hbm, dst_hbm, zeros_hbm, out_hbm,
               src_v, dst_v, rows_v, acc, sem_g):
    c = lax.axis_index("c")
    s = lax.axis_index("s")
    row0 = c * ROWS_PER_SC + s * EPT_CHUNKS
    pltpu.sync_copy(zeros_hbm, acc.at[pl.ds(s * RPT, RPT)])
    plsc.subcore_barrier()

    def _gather(j, slot):
        return pltpu.make_async_copy(y_hbm.at[src_v.at[j]],
                                     rows_v.at[slot], sem_g)

    for h in range(2):
        pltpu.sync_copy(src_hbm.at[pl.ds(row0 + h * _HALF, _HALF)], src_v)
        pltpu.sync_copy(dst_hbm.at[pl.ds(row0 + h * _HALF, _HALF)], dst_v)
        _gather(0, 0).start()

        def pair(k, carry):
            j0 = 2 * k
            _gather(j0, 0).wait()
            _gather(j0 + 1, 1).start()
            pltpu.sync_copy(rows_v.at[0], acc.at[dst_v.at[j0]], add=True)
            _gather(j0 + 1, 1).wait()

            @pl.when(k < _HALF // 2 - 1)
            def _():
                _gather(j0 + 2, 0).start()

            pltpu.sync_copy(rows_v.at[1], acc.at[dst_v.at[j0 + 1]], add=True)
            return carry

        lax.fori_loop(0, _HALF // 2, pair, 0)

    plsc.subcore_barrier()
    pltpu.sync_copy(acc.at[pl.ds(s * RPT, RPT)],
                    out_hbm.at[c, pl.ds(s * RPT, RPT)])


def _make_conv(width):
    return pl.kernel(
        _conv_body,
        out_type=jax.ShapeDtypeStruct((NC, NPAD, width), jnp.float32),
        mesh=_MESH,
        scratch_types=[
            pltpu.VMEM((_HALF, CHUNK), jnp.int32),
            pltpu.VMEM((_HALF, CHUNK), jnp.int32),
            pltpu.VMEM((2, CHUNK, width), jnp.float32),
            pltpu.VMEM_SHARED((NPAD, width), jnp.float32),
            pltpu.SemaphoreType.DMA,
        ],
    )


_conv128 = _make_conv(H)

_TC_R = 1000


def _dinv_of(degp):
    deg = degp[0] + degp[1] + 1.0
    return lax.rsqrt(deg[:, 0:1])


def _leaky(x):
    return jnp.where(x > 0, x, 0.01 * x)


def _dense1_body(nodes_ref, w1_ref, b1_ref, gw_ref, degp_ref, y_ref):
    x = jnp.dot(nodes_ref[...], w1_ref[...],
                preferred_element_type=jnp.float32) + b1_ref[...]
    x = _leaky(x)
    dinv = _dinv_of(degp_ref[...])
    y_ref[...] = jnp.dot(x, gw_ref[...],
                         preferred_element_type=jnp.float32) * dinv


def _dense2_body(p_ref, y1_ref, degp_ref, w2_ref, b2_ref, g1b_ref, gw2_ref,
                 y2_ref):
    dinv = _dinv_of(degp_ref[...])
    h = (p_ref[0] + p_ref[1] + y1_ref[...]) * dinv + g1b_ref[...]
    x2 = _leaky(jnp.dot(h, w2_ref[...],
                        preferred_element_type=jnp.float32) + b2_ref[...])
    y2_ref[...] = jnp.dot(x2, gw2_ref[...],
                          preferred_element_type=jnp.float32) * dinv


def _final_body(p_ref, y2_ref, degp_ref, g2b_ref, out_ref):
    dinv = _dinv_of(degp_ref[...])
    o = (p_ref[0] + p_ref[1] + y2_ref[...]) * dinv + g2b_ref[...]
    col = lax.broadcasted_iota(jnp.int32, (_TC_R, CP), 1)
    valid = col < C
    m = jnp.max(jnp.where(valid, o, -1e30), axis=1, keepdims=True)
    e = jnp.where(valid, jnp.exp(o - m), 0.0)
    lse = jnp.log(jnp.sum(e, axis=1, keepdims=True))
    out_ref[...] = (o - m - lse)[:, :C]


def _row_spec(width):
    return pl.BlockSpec((_TC_R, width), lambda i: (i, 0))


def _pair_spec(width):
    return pl.BlockSpec((2, _TC_R, width), lambda i: (0, i, 0))


def _full_spec(shape):
    return pl.BlockSpec(shape, lambda i: tuple(0 for _ in shape))


_GRID = (N // _TC_R,)

_dense1_call = pl.pallas_call(
    _dense1_body,
    grid=_GRID,
    in_specs=[_row_spec(D), _full_spec((D, D)), _full_spec((1, D)),
              _full_spec((D, H)), _pair_spec(LANES)],
    out_specs=_row_spec(H),
    out_shape=jax.ShapeDtypeStruct((N, H), jnp.float32),
)

_dense2_call = pl.pallas_call(
    _dense2_body,
    grid=_GRID,
    in_specs=[_pair_spec(H), _row_spec(H), _pair_spec(LANES),
              _full_spec((H, H)), _full_spec((1, H)), _full_spec((1, H)),
              _full_spec((H, CP))],
    out_specs=_row_spec(CP),
    out_shape=jax.ShapeDtypeStruct((N, CP), jnp.float32),
)

_final_call = pl.pallas_call(
    _final_body,
    grid=_GRID,
    in_specs=[_pair_spec(CP), _row_spec(CP), _pair_spec(LANES),
              _full_spec((1, CP))],
    out_specs=_row_spec(C),
    out_shape=jax.ShapeDtypeStruct((N, C), jnp.float32),
)


def kernel(nodes, edges, lin1_w, lin1_b, bn1_g, bn1_b, bn1_m, bn1_v,
           gcn1_w, gcn1_b, lin2_w, lin2_b, bn2_g, bn2_b, bn2_m, bn2_v,
           gcn2_w, gcn2_b):
    s1 = bn1_g * lax.rsqrt(bn1_v + EPS)
    w1f = lin1_w * s1[None, :]
    b1f = (lin1_b * s1 + (bn1_b - bn1_m * s1))[None, :]
    s2 = bn2_g * lax.rsqrt(bn2_v + EPS)
    w2f = lin2_w * s2[None, :]
    b2f = (lin2_b * s2 + (bn2_b - bn2_m * s2))[None, :]
    gw2p = jnp.pad(gcn2_w, ((0, 0), (0, CP - C)))
    g2bp = jnp.pad(gcn2_b, (0, CP - C))[None, :]

    half_pad = (EPAD - E_RAW) // 2
    half_e = E_RAW // 2
    pad_src = (jnp.arange(half_pad, dtype=jnp.int32) * 7) % N
    pad_dst = N + (jnp.arange(half_pad, dtype=jnp.int32) % (NPAD - N))
    src_flat = jnp.concatenate(
        [edges[:half_e, 0], pad_src, edges[half_e:, 0], pad_src])
    dst_flat = jnp.concatenate(
        [edges[:half_e, 1], pad_dst, edges[half_e:, 1], pad_dst])
    src2d = src_flat.reshape(ROWS_TOTAL, CHUNK)
    dst2d = dst_flat.reshape(ROWS_TOTAL, CHUNK)

    ones128 = jnp.ones((CHUNK, H), jnp.float32)
    z128 = jnp.zeros((RPT, H), jnp.float32)

    degp = _deg_call(dst2d, ones128, z128)
    degp_n = degp[:, :N, :LANES]
    y1 = _dense1_call(nodes, w1f, b1f, gcn1_w, degp_n)
    p1 = _conv128(y1, src2d, dst2d, z128)
    y2 = _dense2_call(p1, y1, degp_n, w2f, b2f,
                      gcn1_b[None, :], gw2p)
    p2 = _conv128(y2, src2d, dst2d, z128)
    return _final_call(p2, y2, degp_n, g2bp)

# --- scband reference (transcript-rebuilt; emitter-appended) ---
"""Pipeline reference for scband-gcnmodel-88295937671173 (READ-ONLY COPY).

The authoritative reference and input builder live on the scoring server;
editing this copy changes nothing except your own understanding.
"""

import jax, jax.numpy as jnp
import numpy as np

N = 10000
E = 320000
D = 128
H = 128
C = 40
EPS = 1e-5


def setup_inputs(seed: int = 0) -> dict:
    key = jax.random.key(seed)
    ks = jax.random.split(key, 16)
    inp = {}
    inp["nodes"] = jax.random.normal(ks[0], (N, D), jnp.float32)
    inp["edges"] = jax.random.randint(ks[1], (E, 2), 0, N).astype(jnp.int32)
    # layer 0 (hidden): Linear(in=D,out=D), BN(D), GCNConv(D->H)
    inp["lin1_w"] = jax.random.normal(ks[2], (D, D), jnp.float32) * (1.0 / np.sqrt(D))
    inp["lin1_b"] = jnp.zeros((D,), jnp.float32)
    inp["bn1_g"] = jnp.ones((D,), jnp.float32)
    inp["bn1_b"] = jnp.zeros((D,), jnp.float32)
    inp["bn1_m"] = jnp.zeros((D,), jnp.float32)
    inp["bn1_v"] = jnp.ones((D,), jnp.float32)
    inp["gcn1_w"] = jax.random.normal(ks[3], (D, H), jnp.float32) * (1.0 / np.sqrt(D))
    inp["gcn1_b"] = jnp.zeros((H,), jnp.float32)
    # layer 1 (final): Linear(in=H,out=H), BN(H), GCNConv(H->C), log_softmax
    inp["lin2_w"] = jax.random.normal(ks[4], (H, H), jnp.float32) * (1.0 / np.sqrt(H))
    inp["lin2_b"] = jnp.zeros((H,), jnp.float32)
    inp["bn2_g"] = jnp.ones((H,), jnp.float32)
    inp["bn2_b"] = jnp.zeros((H,), jnp.float32)
    inp["bn2_m"] = jnp.zeros((H,), jnp.float32)
    inp["bn2_v"] = jnp.ones((H,), jnp.float32)
    inp["gcn2_w"] = jax.random.normal(ks[5], (H, C), jnp.float32) * (1.0 / np.sqrt(H))
    inp["gcn2_b"] = jnp.zeros((C,), jnp.float32)
    return inp


def _leaky_relu(x):
    return jnp.where(x > 0, x, 0.01 * x)


def _bn_eval(x, g, b, m, v):
    return (x - m) / jnp.sqrt(v + EPS) * g + b


def _gcn_conv(x, src, dst, W, b):
    # PyG GCNConv: self-loops already appended to src/dst by caller
    xw = x @ W
    deg = jnp.zeros((N,), xw.dtype).at[dst].add(1.0)
    dinv = jnp.where(deg > 0, deg ** -0.5, 0.0)
    norm = dinv[src] * dinv[dst]
    msg = xw[src] * norm[:, None]
    out = jnp.zeros((N, W.shape[1]), xw.dtype).at[dst].add(msg)
    return out + b


def reference(nodes, edges, lin1_w, lin1_b, bn1_g, bn1_b, bn1_m, bn1_v, gcn1_w, gcn1_b,
              lin2_w, lin2_b, bn2_g, bn2_b, bn2_m, bn2_v, gcn2_w, gcn2_b):
    ei = edges.T
    loop = jnp.arange(N, dtype=ei.dtype)
    src = jnp.concatenate([ei[0], loop])
    dst = jnp.concatenate([ei[1], loop])

    # layer 0: linear -> BN(eval) -> dropout(eval=identity) -> LeakyReLU -> GCNConv
    x = nodes @ lin1_w + lin1_b
    x = _bn_eval(x, bn1_g, bn1_b, bn1_m, bn1_v)
    x = _leaky_relu(x)
    x = _gcn_conv(x, src, dst, gcn1_w, gcn1_b)

    # layer 1 (final): linear -> BN(eval) -> LeakyReLU -> GCNConv -> log_softmax
    x = x @ lin2_w + lin2_b
    x = _bn_eval(x, bn2_g, bn2_b, bn2_m, bn2_v)
    x = _leaky_relu(x)
    x = _gcn_conv(x, src, dst, gcn2_w, gcn2_b)
    x = jax.nn.log_softmax(x, axis=1)
    return x

if __name__ == "__main__":
    import jax
    _d = setup_inputs()
    print(jax.jit(kernel)(*tuple(_d.values())))

</pallas_src>

<mosaic_0001>
#map = affine_map<(d0, d1) -> (0, 0)>
#map1 = affine_map<(d0, d1) -> (0, 0, 0)>
module attributes {stable_mosaic.version = 14 : i64} {
  func.func @_deg_body(%arg0: i32, %arg1: i32, %arg2: memref<2560x128xi32, #tpu.memory_space<hbm>>, %arg3: memref<128x128xf32, #tpu.memory_space<hbm>>, %arg4: memref<640x128xf32, #tpu.memory_space<hbm>>, %arg5: memref<2x10240x128xf32, #tpu.memory_space<hbm>>, %arg6: memref<80x128xi32, #tpu.memory_space<vmem>>, %arg7: memref<128x128xf32, #tpu.memory_space<vmem>>, %arg8: memref<10240x128xf32, #tpu.memory_space<vmem_shared>>, %arg9: memref<!tpu.dma_semaphore, #tpu.memory_space<semaphore_mem>>) attributes {dimension_semantics = [#tpu.dimension_semantics<core_parallel>, #tpu.dimension_semantics<subcore_parallel>], iteration_bounds = array<i64: 2, 16>, scalar_prefetch = 0 : i64, scratch_operands = 4 : i64, tpu.core_type = #tpu.core_type<sc_vector_subcore>, window_params = [{transform_indices = #map}, {transform_indices = #map}, {transform_indices = #map}, {transform_indices = #map1}]} {
    %mul3A = arith.constant 1280 : i32
    %mul3A_0 = arith.muli %arg0, %mul3A : i32
    %mul3A_1 = arith.constant 80 : i32
    %mul3A_2 = arith.muli %arg1, %mul3A_1 : i32
    %add3A = arith.addi %mul3A_0, %mul3A_2 : i32
    "tpu.region"() ({
      %run_scoped3A = tpu.sem_alloc : memref<!tpu.dma_semaphore, #tpu.memory_space<semaphore_mem>>
      %dma_start3A = arith.constant 0 : i32
      %dma_start3A_15 = tpu.memref_slice %arg2[%add3A, %dma_start3A] : memref<2560x128xi32, #tpu.memory_space<hbm>> -> memref<80x128xi32, #tpu.memory_space<hbm>>
      %dma_start3A_16 = arith.constant 0 : i32
      %dma_start3A_17 = tpu.memref_slice %arg2[%add3A, %dma_start3A_16] : memref<2560x128xi32, #tpu.memory_space<hbm>> -> memref<80x128xi32, #tpu.memory_space<hbm>>
      tpu.enqueue_dma source(%dma_start3A_17 : memref<80x128xi32, #tpu.memory_space<hbm>>) target(%arg6 : memref<80x128xi32, #tpu.memory_space<vmem>>) target_semaphore(%run_scoped3A : memref<!tpu.dma_semaphore, #tpu.memory_space<semaphore_mem>>)
      %dma_wait3A = arith.constant 0 : i32
      %dma_wait3A_18 = tpu.memref_slice %arg2[%add3A, %dma_wait3A] : memref<2560x128xi32, #tpu.memory_space<hbm>> -> memref<80x128xi32, #tpu.memory_space<hbm>>
      %dma_wait3A_19 = arith.constant 0 : i32
      %dma_wait3A_20 = tpu.memref_slice %arg2[%add3A, %dma_wait3A_19] : memref<2560x128xi32, #tpu.memory_space<hbm>> -> memref<80x128xi32, #tpu.memory_space<hbm>>
      tpu.wait_dma2 semaphore(%run_scoped3A : memref<!tpu.dma_semaphore, #tpu.memory_space<semaphore_mem>>) src(%dma_wait3A_20 : memref<80x128xi32, #tpu.memory_space<hbm>>) dst(%arg6 : memref<80x128xi32, #tpu.memory_space<vmem>>)
      tpu.yield
    }) : () -> ()
    "tpu.region"() ({
      %run_scoped3A = tpu.sem_alloc : memref<!tpu.dma_semaphore, #tpu.memory_space<semaphore_mem>>
      tpu.enqueue_dma source(%arg3 : memref<128x128xf32, #tpu.memory_space<hbm>>) target(%arg7 : memref<128x128xf32, #tpu.memory_space<vmem>>) target_semaphore(%run_scoped3A : memref<!tpu.dma_semaphore, #tpu.memory_space<semaphore_mem>>)
      tpu.wait_dma2 semaphore(%run_scoped3A : memref<!tpu.dma_semaphore, #tpu.memory_space<semaphore_mem>>) src(%arg3 : memref<128x128xf32, #tpu.memory_space<hbm>>) dst(%arg7 : memref<128x128xf32, #tpu.memory_space<vmem>>)
      tpu.yield
    }) : () -> ()
    %mul3A_3 = arith.constant 640 : i32
    %mul3A_4 = arith.muli %arg1, %mul3A_3 : i32
    "tpu.region"() ({
      %run_scoped3A = tpu.sem_alloc : memref<!tpu.dma_semaphore, #tpu.memory_space<semaphore_mem>>
      %dma_start3A = arith.constant 0 : i32
      %dma_start3A_15 = tpu.memref_slice %arg8[%mul3A_4, %dma_start3A] : memref<10240x128xf32, #tpu.memory_space<vmem_shared>> -> memref<640x128xf32, #tpu.memory_space<vmem_shared>>
      tpu.enqueue_dma source(%arg4 : memref<640x128xf32, #tpu.memory_space<hbm>>) target(%dma_start3A_15 : memref<640x128xf32, #tpu.memory_space<vmem_shared>>) target_semaphore(%run_scoped3A : memref<!tpu.dma_semaphore, #tpu.memory_space<semaphore_mem>>)
      %dma_wait3A = arith.constant 0 : i32
      %dma_wait3A_16 = tpu.memref_slice %arg8[%mul3A_4, %dma_wait3A] : memref<10240x128xf32, #tpu.memory_space<vmem_shared>> -> memref<640x128xf32, #tpu.memory_space<vmem_shared>>
      tpu.wait_dma2 semaphore(%run_scoped3A : memref<!tpu.dma_semaphore, #tpu.memory_space<semaphore_mem>>) src(%arg4 : memref<640x128xf32, #tpu.memory_space<hbm>>) dst(%dma_wait3A_16 : memref<640x128xf32, #tpu.memory_space<vmem_shared>>)
      tpu.yield
    }) : () -> ()
    %barrier3A = arith.constant 0 : index
    tpu.barrier barrier_id(%barrier3A)
    %scan3A = arith.constant 0 : i32
    %scan3A_5 = arith.constant 0 : i32
    %scan3A_6 = arith.constant 10 : i32
    %scan3A_7 = arith.addi %scan3A_5, %scan3A_6 : i32
    %scan3A_8 = arith.constant 1 : i32
    scf.for %scan3A_15 = %scan3A_5 to %scan3A_7 step %scan3A_8  : i32 {
      %mul3A_16 = arith.constant 8 : i32
      %mul3A_17 = arith.muli %scan3A_15, %mul3A_16 : i32
      %add3A_18 = arith.constant 0 : i32
      %add3A_19 = arith.addi %mul3A_17, %add3A_18 : i32
      %dma_start3A = arith.constant 0 : i32
      %dma_start3A_20 = tpu.memref_slice %arg6[%add3A_19, %dma_start3A] : memref<80x128xi32, #tpu.memory_space<vmem>> -> memref<1x128xi32, #tpu.memory_space<vmem>>
      %dma_start3A_21 = tpu.memref_squeeze %dma_start3A_20 : memref<1x128xi32, #tpu.memory_space<vmem>> -> memref<128xi32, #tpu.memory_space<vmem>>
      %dma_start3A_22 = arith.constant 0 : i32
      %dma_start3A_23 = arith.constant 0 : i32
      %dma_start3A_24 = tpu.memref_slice %arg8[%dma_start3A_22, %dma_start3A_23] : memref<10240x128xf32, #tpu.memory_space<vmem_shared>> -> memref<10240x128xf32, #tpu.memory_space<vmem_shared>>
      tpu.enqueue_indirect_dma source(%arg7 : memref<128x128xf32, #tpu.memory_space<vmem>>) target(%dma_start3A_24 : memref<10240x128xf32, #tpu.memory_space<vmem_shared>>) offsets(%dma_start3A_21 : memref<128xi32, #tpu.memory_space<vmem>>) semaphore(%arg9 : memref<!tpu.dma_semaphore, #tpu.memory_space<semaphore_mem>>) {add = true}
      %add3A_25 = arith.constant 1 : i32
      %add3A_26 = arith.addi %mul3A_17, %add3A_25 : i32
      %dma_start3A_27 = arith.constant 0 : i32
      %dma_start3A_28 = tpu.memref_slice %arg6[%add3A_26, %dma_start3A_27] : memref<80x128xi32, #tpu.memory_space<vmem>> -> memref<1x128xi32, #tpu.memory_space<vmem>>
      %dma_start3A_29 = tpu.memref_squeeze %dma_start3A_28 : memref<1x128xi32, #tpu.memory_space<vmem>> -> memref<128xi32, #tpu.memory_space<vmem>>
      %dma_start3A_30 = arith.constant 0 : i32
      %dma_start3A_31 = arith.constant 0 : i32
      %dma_start3A_32 = tpu.memref_slice %arg8[%dma_start3A_30, %dma_start3A_31] : memref<10240x128xf32, #tpu.memory_space<vmem_shared>> -> memref<10240x128xf32, #tpu.memory_space<vmem_shared>>
      tpu.enqueue_indirect_dma source(%arg7 : memref<128x128xf32, #tpu.memory_space<vmem>>) target(%dma_start3A_32 : memref<10240x128xf32, #tpu.memory_space<vmem_shared>>) offsets(%dma_start3A_29 : memref<128xi32, #tpu.memory_space<vmem>>) semaphore(%arg9 : memref<!tpu.dma_semaphore, #tpu.memory_space<semaphore_mem>>) {add = true}
      %add3A_33 = arith.constant 2 : i32
      %add3A_34 = arith.addi %mul3A_17, %add3A_33 : i32
      %dma_start3A_35 = arith.constant 0 : i32
      %dma_start3A_36 = tpu.memref_slice %arg6[%add3A_34, %dma_start3A_35] : memref<80x128xi32, #tpu.memory_space<vmem>> -> memref<1x128xi32, #tpu.memory_space<vmem>>
      %dma_start3A_37 = tpu.memref_squeeze %dma_start3A_36 : memref<1x128xi32, #tpu.memory_space<vmem>> -> memref<128xi32, #tpu.memory_space<vmem>>
      %dma_start3A_38 = arith.constant 0 : i32
      %dma_start3A_39 = arith.constant 0 : i32
      %dma_start3A_40 = tpu.memref_slice %arg8[%dma_start3A_38, %dma_start3A_39] : memref<10240x128xf32, #tpu.memory_space<vmem_shared>> -> memref<10240x128xf32, #tpu.memory_space<vmem_shared>>
      tpu.enqueue_indirect_dma source(%arg7 : memref<128x128xf32, #tpu.memory_space<vmem>>) target(%dma_start3A_40 : memref<10240x128xf32, #tpu.memory_space<vmem_shared>>) offsets(%dma_start3A_37 : memref<128xi32, #tpu.memory_space<vmem>>) semaphore(%arg9 : memref<!tpu.dma_semaphore, #tpu.memory_space<semaphore_mem>>) {add = true}
      %add3A_41 = arith.constant 3 : i32
      %add3A_42 = arith.addi %mul3A_17, %add3A_41 : i32
      %dma_start3A_43 = arith.constant 0 : i32
      %dma_start3A_44 = tpu.memref_slice %arg6[%add3A_42, %dma_start3A_43] : memref<80x128xi32, #tpu.memory_space<vmem>> -> memref<1x128xi32, #tpu.memory_space<vmem>>
      %dma_start3A_45 = tpu.memref_squeeze %dma_start3A_44 : memref<1x128xi32, #tpu.memory_space<vmem>> -> memref<128xi32, #tpu.memory_space<vmem>>
      %dma_start3A_46 = arith.constant 0 : i32
      %dma_start3A_47 = arith.constant 0 : i32
      %dma_start3A_48 = tpu.memref_slice %arg8[%dma_start3A_46, %dma_start3A_47] : memref<10240x128xf32, #tpu.memory_space<vmem_shared>> -> memref<10240x128xf32, #tpu.memory_space<vmem_shared>>
      tpu.enqueue_indirect_dma source(%arg7 : memref<128x128xf32, #tpu.memory_space<vmem>>) target(%dma_start3A_48 : memref<10240x128xf32, #tpu.memory_space<vmem_shared>>) offsets(%dma_start3A_45 : memref<128xi32, #tpu.memory_space<vmem>>) semaphore(%arg9 : memref<!tpu.dma_semaphore, #tpu.memory_space<semaphore_mem>>) {add = true}
      %add3A_49 = arith.constant 4 : i32
      %add3A_50 = arith.addi %mul3A_17, %add3A_49 : i32
      %dma_start3A_51 = arith.constant 0 : i32
      %dma_start3A_52 = tpu.memref_slice %arg6[%add3A_50, %dma_start3A_51] : memref<80x128xi32, #tpu.memory_space<vmem>> -> memref<1x128xi32, #tpu.memory_space<vmem>>
      %dma_start3A_53 = tpu.memref_squeeze %dma_start3A_52 : memref<1x128xi32, #tpu.memory_space<vmem>> -> memref<128xi32, #tpu.memory_space<vmem>>
      %dma_start3A_54 = arith.constant 0 : i32
      %dma_start3A_55 = arith.constant 0 : i32
      %dma_start3A_56 = tpu.memref_slice %arg8[%dma_start3A_54, %dma_start3A_55] : memref<10240x128xf32, #tpu.memory_space<vmem_shared>> -> memref<10240x128xf32, #tpu.memory_space<vmem_shared>>
      tpu.enqueue_indirect_dma source(%arg7 : memref<128x128xf32, #tpu.memory_space<vmem>>) target(%dma_start3A_56 : memref<10240x128xf32, #tpu.memory_space<vmem_shared>>) offsets(%dma_start3A_53 : memref<128xi32, #tpu.memory_space<vmem>>) semaphore(%arg9 : memref<!tpu.dma_semaphore, #tpu.memory_space<semaphore_mem>>) {add = true}
      %add3A_57 = arith.constant 5 : i32
      %add3A_58 = arith.addi %mul3A_17, %add3A_57 : i32
      %dma_start3A_59 = arith.constant 0 : i32
      %dma_start3A_60 = tpu.memref_slice %arg6[%add3A_58, %dma_start3A_59] : memref<80x128xi32, #tpu.memory_space<vmem>> -> memref<1x128xi32, #tpu.memory_space<vmem>>
      %dma_start3A_61 = tpu.memref_squeeze %dma_start3A_60 : memref<1x128xi32, #tpu.memory_space<vmem>> -> memref<128xi32, #tpu.memory_space<vmem>>
      %dma_start3A_62 = arith.constant 0 : i32
      %dma_start3A_63 = arith.constant 0 : i32
      %dma_start3A_64 = tpu.memref_slice %arg8[%dma_start3A_62, %dma_start3A_63] : memref<10240x128xf32, #tpu.memory_space<vmem_shared>> -> memref<10240x128xf32, #tpu.memory_space<vmem_shared>>
      tpu.enqueue_indirect_dma source(%arg7 : memref<128x128xf32, #tpu.memory_space<vmem>>) target(%dma_start3A_64 : memref<10240x128xf32, #tpu.memory_space<vmem_shared>>) offsets(%dma_start3A_61 : memref<128xi32, #tpu.memory_space<vmem>>) semaphore(%arg9 : memref<!tpu.dma_semaphore, #tpu.memory_space<semaphore_mem>>) {add = true}
      %add3A_65 = arith.constant 6 : i32
      %add3A_66 = arith.addi %mul3A_17, %add3A_65 : i32
      %dma_start3A_67 = arith.constant 0 : i32
      %dma_start3A_68 = tpu.memref_slice %arg6[%add3A_66, %dma_start3A_67] : memref<80x128xi32, #tpu.memory_space<vmem>> -> memref<1x128xi32, #tpu.memory_space<vmem>>
      %dma_start3A_69 = tpu.memref_squeeze %dma_start3A_68 : memref<1x128xi32, #tpu.memory_space<vmem>> -> memref<128xi32, #tpu.memory_space<vmem>>
      %dma_start3A_70 = arith.constant 0 : i32
      %dma_start3A_71 = arith.constant 0 : i32
      %dma_start3A_72 = tpu.memref_slice %arg8[%dma_start3A_70, %dma_start3A_71] : memref<10240x128xf32, #tpu.memory_space<vmem_shared>> -> memref<10240x128xf32, #tpu.memory_space<vmem_shared>>
      tpu.enqueue_indirect_dma source(%arg7 : memref<128x128xf32, #tpu.memory_space<vmem>>) target(%dma_start3A_72 : memref<10240x128xf32, #tpu.memory_space<vmem_shared>>) offsets(%dma_start3A_69 : memref<128xi32, #tpu.memory_space<vmem>>) semaphore(%arg9 : memref<!tpu.dma_semaphore, #tpu.memory_space<semaphore_mem>>) {add = true}
      %add3A_73 = arith.constant 7 : i32
      %add3A_74 = arith.addi %mul3A_17, %add3A_73 : i32
      %dma_start3A_75 = arith.constant 0 : i32
      %dma_start3A_76 = tpu.memref_slice %arg6[%add3A_74, %dma_start3A_75] : memref<80x128xi32, #tpu.memory_space<vmem>> -> memref<1x128xi32, #tpu.memory_space<vmem>>
      %dma_start3A_77 = tpu.memref_squeeze %dma_start3A_76 : memref<1x128xi32, #tpu.memory_space<vmem>> -> memref<128xi32, #tpu.memory_space<vmem>>
      %dma_start3A_78 = arith.constant 0 : i32
      %dma_start3A_79 = arith.constant 0 : i32
      %dma_start3A_80 = tpu.memref_slice %arg8[%dma_start3A_78, %dma_start3A_79] : memref<10240x128xf32, #tpu.memory_space<vmem_shared>> -> memref<10240x128xf32, #tpu.memory_space<vmem_shared>>
      tpu.enqueue_indirect_dma source(%arg7 : memref<128x128xf32, #tpu.memory_space<vmem>>) target(%dma_start3A_80 : memref<10240x128xf32, #tpu.memory_space<vmem_shared>>) offsets(%dma_start3A_77 : memref<128xi32, #tpu.memory_space<vmem>>) semaphore(%arg9 : memref<!tpu.dma_semaphore, #tpu.memory_space<semaphore_mem>>) {add = true}
      %add3A_81 = arith.constant 0 : i32
      %add3A_82 = arith.addi %mul3A_17, %add3A_81 : i32
      %dma_wait3A = arith.constant 0 : i32
      %dma_wait3A_83 = tpu.memref_slice %arg6[%add3A_82, %dma_wait3A] : memref<80x128xi32, #tpu.memory_space<vmem>> -> memref<1x128xi32, #tpu.memory_space<vmem>>
      %dma_wait3A_84 = tpu.memref_squeeze %dma_wait3A_83 : memref<1x128xi32, #tpu.memory_space<vmem>> -> memref<128xi32, #tpu.memory_space<vmem>>
      %dma_wait3A_85 = arith.constant 0 : i32
      %dma_wait3A_86 = arith.constant 0 : i32
      %dma_wait3A_87 = tpu.memref_slice %arg8[%dma_wait3A_85, %dma_wait3A_86] : memref<10240x128xf32, #tpu.memory_space<vmem_shared>> -> memref<10240x128xf32, #tpu.memory_space<vmem_shared>>
      tpu.wait_indirect_dma semaphore(%arg9 : memref<!tpu.dma_semaphore, #tpu.memory_space<semaphore_mem>>) src(%arg7 : memref<128x128xf32, #tpu.memory_space<vmem>>) dst(%dma_wait3A_87 : memref<10240x128xf32, #tpu.memory_space<vmem_shared>>)
      %add3A_88 = arith.constant 1 : i32
      %add3A_89 = arith.addi %mul3A_17, %add3A_88 : i32
      %dma_wait3A_90 = arith.constant 0 : i32
      %dma_wait3A_91 = tpu.memref_slice %arg6[%add3A_89, %dma_wait3A_90] : memref<80x128xi32, #tpu.memory_space<vmem>> -> memref<1x128xi32, #tpu.memory_space<vmem>>
      %dma_wait3A_92 = tpu.memref_squeeze %dma_wait3A_91 : memref<1x128xi32, #tpu.memory_space<vmem>> -> memref<128xi32, #tpu.memory_space<vmem>>
      %dma_wait3A_93 = arith.constant 0 : i32
      %dma_wait3A_94 = arith.constant 0 : i32
      %dma_wait3A_95 = tpu.memref_slice %arg8[%dma_wait3A_93, %dma_wait3A_94] : memref<10240x128xf32, #tpu.memory_space<vmem_shared>> -> memref<10240x128xf32, #tpu.memory_space<vmem_shared>>
      tpu.wait_indirect_dma semaphore(%arg9 : memref<!tpu.dma_semaphore, #tpu.memory_space<semaphore_mem>>) src(%arg7 : memref<128x128xf32, #tpu.memory_space<vmem>>) dst(%dma_wait3A_95 : memref<10240x128xf32, #tpu.memory_space<vmem_shared>>)
      %add3A_96 = arith.constant 2 : i32
      %add3A_97 = arith.addi %mul3A_17, %add3A_96 : i32
      %dma_wait3A_98 = arith.constant 0 : i32
      %dma_wait3A_99 = tpu.memref_slice %arg6[%add3A_97, %dma_wait3A_98] : memref<80x128xi32, #tpu.memory_space<vmem>> -> memref<1x128xi32, #tpu.memory_space<vmem>>
      %dma_wait3A_100 = tpu.memref_squeeze %dma_wait3A_99 : memref<1x128xi32, #tpu.memory_space<vmem>> -> memref<128xi32, #tpu.memory_space<vmem>>
      %dma_wait3A_101 = arith.constant 0 : i32
      %dma_wait3A_102 = arith.constant 0 : i32
      %dma_wait3A_103 = tpu.memref_slice %arg8[%dma_wait3A_101, %dma_wait3A_102] : memref<10240x128xf32, #tpu.memory_space<vmem_shared>> -> memref<10240x128xf32, #tpu.memory_space<vmem_shared>>
      tpu.wait_indirect_dma semaphore(%arg9 : memref<!tpu.dma_semaphore, #tpu.memory_space<semaphore_mem>>) src(%arg7 : memref<128x128xf32, #tpu.memory_space<vmem>>) dst(%dma_wait3A_103 : memref<10240x128xf32, #tpu.memory_space<vmem_shared>>)
      %add3A_104 = arith.constant 3 : i32
      %add3A_105 = arith.addi %mul3A_17, %add3A_104 : i32
      %dma_wait3A_106 = arith.constant 0 : i32
      %dma_wait3A_107 = tpu.memref_slice %arg6[%add3A_105, %dma_wait3A_106] : memref<80x128xi32, #tpu.memory_space<vmem>> -> memref<1x128xi32, #tpu.memory_space<vmem>>
      %dma_wait3A_108 = tpu.memref_squeeze %dma_wait3A_107 : memref<1x128xi32, #tpu.memory_space<vmem>> -> memref<128xi32, #tpu.memory_space<vmem>>
      %dma_wait3A_109 = arith.constant 0 : i32
      %dma_wait3A_110 = arith.constant 0 : i32
      %dma_wait3A_111 = tpu.memref_slice %arg8[%dma_wait3A_109, %dma_wait3A_110] : memref<10240x128xf32, #tpu.memory_space<vmem_shared>> -> memref<10240x128xf32, #tpu.memory_space<vmem_shared>>
      tpu.wait_indirect_dma semaphore(%arg9 : memref<!tpu.dma_semaphore, #tpu.memory_space<semaphore_mem>>) src(%arg7 : memref<128x128xf32, #tpu.memory_space<vmem>>) dst(%dma_wait3A_111 : memref<10240x128xf32, #tpu.memory_space<vmem_shared>>)
      %add3A_112 = arith.constant 4 : i32
      %add3A_113 = arith.addi %mul3A_17, %add3A_112 : i32
      %dma_wait3A_114 = arith.constant 0 : i32
      %dma_wait3A_115 = tpu.memref_slice %arg6[%add3A_113, %dma_wait3A_114] : memref<80x128xi32, #tpu.memory_space<vmem>> -> memref<1x128xi32, #tpu.memory_space<vmem>>
      %dma_wait3A_116 = tpu.memref_squeeze %dma_wait3A_115 : memref<1x128xi32, #tpu.memory_space<vmem>> -> memref<128xi32, #tpu.memory_space<vmem>>
      %dma_wait3A_117 = arith.constant 0 : i32
      %dma_wait3A_118 = arith.constant 0 : i32
      %dma_wait3A_119 = tpu.memref_slice %arg8[%dma_wait3A_117, %dma_wait3A_118] : memref<10240x128xf32, #tpu.memory_space<vmem_shared>> -> memref<10240x128xf32, #tpu.memory_space<vmem_shared>>
      tpu.wait_indirect_dma semaphore(%arg9 : memref<!tpu.dma_semaphore, #tpu.memory_space<semaphore_mem>>) src(%arg7 : memref<128x128xf32, #tpu.memory_space<vmem>>) dst(%dma_wait3A_119 : memref<10240x128xf32, #tpu.memory_space<vmem_shared>>)
      %add3A_120 = arith.constant 5 : i32
      %add3A_121 = arith.addi %mul3A_17, %add3A_120 : i32
      %dma_wait3A_122 = arith.constant 0 : i32
      %dma_wait3A_123 = tpu.memref_slice %arg6[%add3A_121, %dma_wait3A_122] : memref<80x128xi32, #tpu.memory_space<vmem>> -> memref<1x128xi32, #tpu.memory_space<vmem>>
      %dma_wait3A_124 = tpu.memref_squeeze %dma_wait3A_123 : memref<1x128xi32, #tpu.memory_space<vmem>> -> memref<128xi32, #tpu.memory_space<vmem>>
      %dma_wait3A_125 = arith.constant 0 : i32
      %dma_wait3A_126 = arith.constant 0 : i32
      %dma_wait3A_127 = tpu.memref_slice %arg8[%dma_wait3A_125, %dma_wait3A_126] : memref<10240x128xf32, #tpu.memory_space<vmem_shared>> -> memref<10240x128xf32, #tpu.memory_space<vmem_shared>>
      tpu.wait_indirect_dma semaphore(%arg9 : memref<!tpu.dma_semaphore, #tpu.memory_space<semaphore_mem>>) src(%arg7 : memref<128x128xf32, #tpu.memory_space<vmem>>) dst(%dma_wait3A_127 : memref<10240x128xf32, #tpu.memory_space<vmem_shared>>)
      %add3A_128 = arith.constant 6 : i32
      %add3A_129 = arith.addi %mul3A_17, %add3A_128 : i32
      %dma_wait3A_130 = arith.constant 0 : i32
      %dma_wait3A_131 = tpu.memref_slice %arg6[%add3A_129, %dma_wait3A_130] : memref<80x128xi32, #tpu.memory_space<vmem>> -> memref<1x128xi32, #tpu.memory_space<vmem>>
      %dma_wait3A_132 = tpu.memref_squeeze %dma_wait3A_131 : memref<1x128xi32, #tpu.memory_space<vmem>> -> memref<128xi32, #tpu.memory_space<vmem>>
      %dma_wait3A_133 = arith.constant 0 : i32
      %dma_wait3A_134 = arith.constant 0 : i32
      %dma_wait3A_135 = tpu.memref_slice %arg8[%dma_wait3A_133, %dma_wait3A_134] : memref<10240x128xf32, #tpu.memory_space<vmem_shared>> -> memref<10240x128xf32, #tpu.memory_space<vmem_shared>>
      tpu.wait_indirect_dma semaphore(%arg9 : memref<!tpu.dma_semaphore, #tpu.memory_space<semaphore_mem>>) src(%arg7 : memref<128x128xf32, #tpu.memory_space<vmem>>) dst(%dma_wait3A_135 : memref<10240x128xf32, #tpu.memory_space<vmem_shared>>)
      %add3A_136 = arith.constant 7 : i32
      %add3A_137 = arith.addi %mul3A_17, %add3A_136 : i32
      %dma_wait3A_138 = arith.constant 0 : i32
      %dma_wait3A_139 = tpu.memref_slice %arg6[%add3A_137, %dma_wait3A_138] : memref<80x128xi32, #tpu.memory_space<vmem>> -> memref<1x128xi32, #tpu.memory_space<vmem>>
      %dma_wait3A_140 = tpu.memref_squeeze %dma_wait3A_139 : memref<1x128xi32, #tpu.memory_space<vmem>> -> memref<128xi32, #tpu.memory_space<vmem>>
      %dma_wait3A_141 = arith.constant 0 : i32
      %dma_wait3A_142 = arith.constant 0 : i32
      %dma_wait3A_143 = tpu.memref_slice %arg8[%dma_wait3A_141, %dma_wait3A_142] : memref<10240x128xf32, #tpu.memory_space<vmem_shared>> -> memref<10240x128xf32, #tpu.memory_space<vmem_shared>>
      tpu.wait_indirect_dma semaphore(%arg9 : memref<!tpu.dma_semaphore, #tpu.memory_space<semaphore_mem>>) src(%arg7 : memref<128x128xf32, #tpu.memory_space<vmem>>) dst(%dma_wait3A_143 : memref<10240x128xf32, #tpu.memory_space<vmem_shared>>)
    }
    %scan3A_9 = arith.constant 10 : i32
    %barrier3A_10 = arith.constant 0 : index
    tpu.barrier barrier_id(%barrier3A_10)
    %mul3A_11 = arith.constant 640 : i32
    %mul3A_12 = arith.muli %arg1, %mul3A_11 : i32
    %mul3A_13 = arith.constant 640 : i32
    %mul3A_14 = arith.muli %arg1, %mul3A_13 : i32
    "tpu.region"() ({
      %run_scoped3A = tpu.sem_alloc : memref<!tpu.dma_semaphore, #tpu.memory_space<semaphore_mem>>
      %dma_start3A = arith.constant 0 : i32
      %dma_start3A_15 = tpu.memref_slice %arg5[%arg0, %mul3A_14, %dma_start3A] : memref<2x10240x128xf32, #tpu.memory_space<hbm>> -> memref<1x640x128xf32, #tpu.memory_space<hbm>>
      %dma_start3A_16 = tpu.memref_squeeze %dma_start3A_15 : memref<1x640x128xf32, #tpu.memory_space<hbm>> -> memref<640x128xf32, #tpu.memory_space<hbm>>
      %dma_start3A_17 = arith.constant 0 : i32
      %dma_start3A_18 = tpu.memref_slice %arg8[%mul3A_12, %dma_start3A_17] : memref<10240x128xf32, #tpu.memory_space<vmem_shared>> -> memref<640x128xf32, #tpu.memory_space<vmem_shared>>
      tpu.enqueue_dma source(%dma_start3A_18 : memref<640x128xf32, #tpu.memory_space<vmem_shared>>) target(%dma_start3A_16 : memref<640x128xf32, #tpu.memory_space<hbm>>) target_semaphore(%run_scoped3A : memref<!tpu.dma_semaphore, #tpu.memory_space<semaphore_mem>>)
      %dma_wait3A = arith.constant 0 : i32
      %dma_wait3A_19 = tpu.memref_slice %arg5[%arg0, %mul3A_14, %dma_wait3A] : memref<2x10240x128xf32, #tpu.memory_space<hbm>> -> memref<1x640x128xf32, #tpu.memory_space<hbm>>
      %dma_wait3A_20 = tpu.memref_squeeze %dma_wait3A_19 : memref<1x640x128xf32, #tpu.memory_space<hbm>> -> memref<640x128xf32, #tpu.memory_space<hbm>>
      %dma_wait3A_21 = arith.constant 0 : i32
      %dma_wait3A_22 = tpu.memref_slice %arg8[%mul3A_12, %dma_wait3A_21] : memref<10240x128xf32, #tpu.memory_space<vmem_shared>> -> memref<640x128xf32, #tpu.memory_space<vmem_shared>>
      tpu.wait_dma2 semaphore(%run_scoped3A : memref<!tpu.dma_semaphore, #tpu.memory_space<semaphore_mem>>) src(%dma_wait3A_22 : memref<640x128xf32, #tpu.memory_space<vmem_shared>>) dst(%dma_wait3A_20 : memref<640x128xf32, #tpu.memory_space<hbm>>)
      tpu.yield
    }) : () -> ()
    return
  }
}

#map = affine_map<(d0, d1) -> (0, 0)>
#map1 = affine_map<(d0, d1) -> (0, 0, 0)>
module attributes {stable_mosaic.version = 14 : i64} {
  func.func @_conv_body(%arg0: i32, %arg1: i32, %arg2: memref<10000x128xf32, #tpu.memory_space<hbm>>, %arg3: memref<2560x128xi32, #tpu.memory_space<hbm>>, %arg4: memref<2560x128xi32, #tpu.memory_space<hbm>>, %arg5: memref<640x128xf32, #tpu.memory_space<hbm>>, %arg6: memref<2x10240x128xf32, #tpu.memory_space<hbm>>, %arg7: memref<40x128xi32, #tpu.memory_space<vmem>>, %arg8: memref<40x128xi32, #tpu.memory_space<vmem>>, %arg9: memref<2x128x128xf32, #tpu.memory_space<vmem>>, %arg10: memref<10240x128xf32, #tpu.memory_space<vmem_shared>>, %arg11: memref<!tpu.dma_semaphore, #tpu.memory_space<semaphore_mem>>) attributes {dimension_semantics = [#tpu.dimension_semantics<core_parallel>, #tpu.dimension_semantics<subcore_parallel>], iteration_bounds = array<i64: 2, 16>, scalar_prefetch = 0 : i64, scratch_operands = 5 : i64, tpu.core_type = #tpu.core_type<sc_vector_subcore>, window_params = [{transform_indices = #map}, {transform_indices = #map}, {transform_indices = #map}, {transform_indices = #map}, {transform_indices = #map1}]} {
    %mul3A = arith.constant 1280 : i32
    %mul3A_0 = arith.muli %arg0, %mul3A : i32
    %mul3A_1 = arith.constant 80 : i32
    %mul3A_2 = arith.muli %arg1, %mul3A_1 : i32
    %add3A = arith.addi %mul3A_0, %mul3A_2 : i32
    %mul3A_3 = arith.constant 640 : i32
    %mul3A_4 = arith.muli %arg1, %mul3A_3 : i32
    "tpu.region"() ({
      %run_scoped3A = tpu.sem_alloc : memref<!tpu.dma_semaphore, #tpu.memory_space<semaphore_mem>>
      %dma_start3A_52 = arith.constant 0 : i32
      %dma_start3A_53 = tpu.memref_slice %arg10[%mul3A_4, %dma_start3A_52] : memref<10240x128xf32, #tpu.memory_space<vmem_shared>> -> memref<640x128xf32, #tpu.memory_space<vmem_shared>>
      tpu.enqueue_dma source(%arg5 : memref<640x128xf32, #tpu.memory_space<hbm>>) target(%dma_start3A_53 : memref<640x128xf32, #tpu.memory_space<vmem_shared>>) target_semaphore(%run_scoped3A : memref<!tpu.dma_semaphore, #tpu.memory_space<semaphore_mem>>)
      %dma_wait3A = arith.constant 0 : i32
      %dma_wait3A_54 = tpu.memref_slice %arg10[%mul3A_4, %dma_wait3A] : memref<10240x128xf32, #tpu.memory_space<vmem_shared>> -> memref<640x128xf32, #tpu.memory_space<vmem_shared>>
      tpu.wait_dma2 semaphore(%run_scoped3A : memref<!tpu.dma_semaphore, #tpu.memory_space<semaphore_mem>>) src(%arg5 : memref<640x128xf32, #tpu.memory_space<hbm>>) dst(%dma_wait3A_54 : memref<640x128xf32, #tpu.memory_space<vmem_shared>>)
      tpu.yield
    }) : () -> ()
    %barrier3A = arith.constant 0 : index
    tpu.barrier barrier_id(%barrier3A)
    %add3A_5 = arith.constant 0 : i32
    %add3A_6 = arith.addi %add3A, %add3A_5 : i32
    "tpu.region"() ({
      %run_scoped3A = tpu.sem_alloc : memref<!tpu.dma_semaphore, #tpu.memory_space<semaphore_mem>>
      %dma_start3A_52 = arith.constant 0 : i32
      %dma_start3A_53 = tpu.memref_slice %arg3[%add3A_6, %dma_start3A_52] : memref<2560x128xi32, #tpu.memory_space<hbm>> -> memref<40x128xi32, #tpu.memory_space<hbm>>
      %dma_start3A_54 = arith.constant 0 : i32
      %dma_start3A_55 = tpu.memref_slice %arg3[%add3A_6, %dma_start3A_54] : memref<2560x128xi32, #tpu.memory_space<hbm>> -> memref<40x128xi32, #tpu.memory_space<hbm>>
      tpu.enqueue_dma source(%dma_start3A_55 : memref<40x128xi32, #tpu.memory_space<hbm>>) target(%arg7 : memref<40x128xi32, #tpu.memory_space<vmem>>) target_semaphore(%run_scoped3A : memref<!tpu.dma_semaphore, #tpu.memory_space<semaphore_mem>>)
      %dma_wait3A = arith.constant 0 : i32
      %dma_wait3A_56 = tpu.memref_slice %arg3[%add3A_6, %dma_wait3A] : memref<2560x128xi32, #tpu.memory_space<hbm>> -> memref<40x128xi32, #tpu.memory_space<hbm>>
      %dma_wait3A_57 = arith.constant 0 : i32
      %dma_wait3A_58 = tpu.memref_slice %arg3[%add3A_6, %dma_wait3A_57] : memref<2560x128xi32, #tpu.memory_space<hbm>> -> memref<40x128xi32, #tpu.memory_space<hbm>>
      tpu.wait_dma2 semaphore(%run_scoped3A : memref<!tpu.dma_semaphore, #tpu.memory_space<semaphore_mem>>) src(%dma_wait3A_58 : memref<40x128xi32, #tpu.memory_space<hbm>>) dst(%arg7 : memref<40x128xi32, #tpu.memory_space<vmem>>)
      tpu.yield
    }) : () -> ()
    %add3A_7 = arith.constant 0 : i32
    %add3A_8 = arith.addi %add3A, %add3A_7 : i32
    "tpu.region"() ({
      %run_scoped3A = tpu.sem_alloc : memref<!tpu.dma_semaphore, #tpu.memory_space<semaphore_mem>>
      %dma_start3A_52 = arith.constant 0 : i32
      %dma_start3A_53 = tpu.memref_slice %arg4[%add3A_8, %dma_start3A_52] : memref<2560x128xi32, #tpu.memory_space<hbm>> -> memref<40x128xi32, #tpu.memory_space<hbm>>
      %dma_start3A_54 = arith.constant 0 : i32
      %dma_start3A_55 = tpu.memref_slice %arg4[%add3A_8, %dma_start3A_54] : memref<2560x128xi32, #tpu.memory_space<hbm>> -> memref<40x128xi32, #tpu.memory_space<hbm>>
      tpu.enqueue_dma source(%dma_start3A_55 : memref<40x128xi32, #tpu.memory_space<hbm>>) target(%arg8 : memref<40x128xi32, #tpu.memory_space<vmem>>) target_semaphore(%run_scoped3A : memref<!tpu.dma_semaphore, #tpu.memory_space<semaphore_mem>>)
      %dma_wait3A = arith.constant 0 : i32
      %dma_wait3A_56 = tpu.memref_slice %arg4[%add3A_8, %dma_wait3A] : memref<2560x128xi32, #tpu.memory_space<hbm>> -> memref<40x128xi32, #tpu.memory_space<hbm>>
      %dma_wait3A_57 = arith.constant 0 : i32
      %dma_wait3A_58 = tpu.memref_slice %arg4[%add3A_8, %dma_wait3A_57] : memref<2560x128xi32, #tpu.memory_space<hbm>> -> memref<40x128xi32, #tpu.memory_space<hbm>>
      tpu.wait_dma2 semaphore(%run_scoped3A : memref<!tpu.dma_semaphore, #tpu.memory_space<semaphore_mem>>) src(%dma_wait3A_58 : memref<40x128xi32, #tpu.memory_space<hbm>>) dst(%arg8 : memref<40x128xi32, #tpu.memory_space<vmem>>)
      tpu.yield
    }) : () -> ()
    %dma_start3A = arith.constant 0 : i32
    %dma_start3A_9 = arith.constant 0 : i32
    %dma_start3A_10 = arith.constant 0 : i32
    %dma_start3A_11 = arith.constant 0 : i32
    %dma_start3A_12 = tpu.memref_slice %arg9[%dma_start3A_9, %dma_start3A_10, %dma_start3A_11] : memref<2x128x128xf32, #tpu.memory_space<vmem>> -> memref<1x128x128xf32, #tpu.memory_space<vmem>>
    %dma_start3A_13 = tpu.memref_squeeze %dma_start3A_12 : memref<1x128x128xf32, #tpu.memory_space<vmem>> -> memref<128x128xf32, #tpu.memory_space<vmem>>
    %dma_start3A_14 = arith.constant 0 : i32
    %dma_start3A_15 = tpu.memref_slice %arg7[%dma_start3A, %dma_start3A_14] : memref<40x128xi32, #tpu.memory_space<vmem>> -> memref<1x128xi32, #tpu.memory_space<vmem>>
    %dma_start3A_16 = tpu.memref_squeeze %dma_start3A_15 : memref<1x128xi32, #tpu.memory_space<vmem>> -> memref<128xi32, #tpu.memory_space<vmem>>
    %dma_start3A_17 = arith.constant 0 : i32
    %dma_start3A_18 = arith.constant 0 : i32
    %dma_start3A_19 = tpu.memref_slice %arg2[%dma_start3A_17, %dma_start3A_18] : memref<10000x128xf32, #tpu.memory_space<hbm>> -> memref<10000x128xf32, #tpu.memory_space<hbm>>
    tpu.enqueue_indirect_dma source(%dma_start3A_19 : memref<10000x128xf32, #tpu.memory_space<hbm>>) target(%dma_start3A_13 : memref<128x128xf32, #tpu.memory_space<vmem>>) offsets(%dma_start3A_16 : memref<128xi32, #tpu.memory_space<vmem>>) semaphore(%arg11 : memref<!tpu.dma_semaphore, #tpu.memory_space<semaphore_mem>>)
    %scan3A = arith.constant 0 : i32
    %scan3A_20 = arith.constant 0 : i32
    %scan3A_21 = arith.constant 20 : i32
    %scan3A_22 = arith.addi %scan3A_20, %scan3A_21 : i32
    %scan3A_23 = arith.constant 1 : i32
    scf.for %scan3A_52 = %scan3A_20 to %scan3A_22 step %scan3A_23  : i32 {
      %mul3A_53 = arith.constant 2 : i32
      %mul3A_54 = arith.muli %mul3A_53, %scan3A_52 : i32
      %dma_wait3A = arith.constant 0 : i32
      %dma_wait3A_55 = arith.constant 0 : i32
      %dma_wait3A_56 = arith.constant 0 : i32
      %dma_wait3A_57 = tpu.memref_slice %arg9[%dma_wait3A, %dma_wait3A_55, %dma_wait3A_56] : memref<2x128x128xf32, #tpu.memory_space<vmem>> -> memref<1x128x128xf32, #tpu.memory_space<vmem>>
      %dma_wait3A_58 = tpu.memref_squeeze %dma_wait3A_57 : memref<1x128x128xf32, #tpu.memory_space<vmem>> -> memref<128x128xf32, #tpu.memory_space<vmem>>
      %dma_wait3A_59 = arith.constant 0 : i32
      %dma_wait3A_60 = tpu.memref_slice %arg7[%mul3A_54, %dma_wait3A_59] : memref<40x128xi32, #tpu.memory_space<vmem>> -> memref<1x128xi32, #tpu.memory_space<vmem>>
      %dma_wait3A_61 = tpu.memref_squeeze %dma_wait3A_60 : memref<1x128xi32, #tpu.memory_space<vmem>> -> memref<128xi32, #tpu.memory_space<vmem>>
      %dma_wait3A_62 = arith.constant 0 : i32
      %dma_wait3A_63 = arith.constant 0 : i32
      %dma_wait3A_64 = tpu.memref_slice %arg2[%dma_wait3A_62, %dma_wait3A_63] : memref<10000x128xf32, #tpu.memory_space<hbm>> -> memref<10000x128xf32, #tpu.memory_space<hbm>>
      tpu.wait_indirect_dma semaphore(%arg11 : memref<!tpu.dma_semaphore, #tpu.memory_space<semaphore_mem>>) src(%dma_wait3A_64 : memref<10000x128xf32, #tpu.memory_space<hbm>>) dst(%dma_wait3A_58 : memref<128x128xf32, #tpu.memory_space<vmem>>)
      %add3A_65 = arith.constant 1 : i32
      %add3A_66 = arith.addi %mul3A_54, %add3A_65 : i32
      %dma_start3A_67 = arith.constant 1 : i32
      %dma_start3A_68 = arith.constant 0 : i32
      %dma_start3A_69 = arith.constant 0 : i32
      %dma_start3A_70 = tpu.memref_slice %arg9[%dma_start3A_67, %dma_start3A_68, %dma_start3A_69] : memref<2x128x128xf32, #tpu.memory_space<vmem>> -> memref<1x128x128xf32, #tpu.memory_space<vmem>>
      %dma_start3A_71 = tpu.memref_squeeze %dma_start3A_70 : memref<1x128x128xf32, #tpu.memory_space<vmem>> -> memref<128x128xf32, #tpu.memory_space<vmem>>
      %dma_start3A_72 = arith.constant 0 : i32
      %dma_start3A_73 = tpu.memref_slice %arg7[%add3A_66, %dma_start3A_72] : memref<40x128xi32, #tpu.memory_space<vmem>> -> memref<1x128xi32, #tpu.memory_space<vmem>>
      %dma_start3A_74 = tpu.memref_squeeze %dma_start3A_73 : memref<1x128xi32, #tpu.memory_space<vmem>> -> memref<128xi32, #tpu.memory_space<vmem>>
      %dma_start3A_75 = arith.constant 0 : i32
      %dma_start3A_76 = arith.constant 0 : i32
      %dma_start3A_77 = tpu.memref_slice %arg2[%dma_start3A_75, %dma_start3A_76] : memref<10000x128xf32, #tpu.memory_space<hbm>> -> memref<10000x128xf32, #tpu.memory_space<hbm>>
      tpu.enqueue_indirect_dma source(%dma_start3A_77 : memref<10000x128xf32, #tpu.memory_space<hbm>>) target(%dma_start3A_71 : memref<128x128xf32, #tpu.memory_space<vmem>>) offsets(%dma_start3A_74 : memref<128xi32, #tpu.memory_space<vmem>>) semaphore(%arg11 : memref<!tpu.dma_semaphore, #tpu.memory_space<semaphore_mem>>)
      %run_scoped3A = arith.constant 0 : i32
      "tpu.region"() ({
        %run_scoped3A_96 = tpu.sem_alloc : memref<!tpu.dma_semaphore, #tpu.memory_space<semaphore_mem>>
        %dma_start3A_97 = arith.constant 0 : i32
        %dma_start3A_98 = arith.constant 0 : i32
        %dma_start3A_99 = tpu.memref_slice %arg9[%run_scoped3A, %dma_start3A_97, %dma_start3A_98] : memref<2x128x128xf32, #tpu.memory_space<vmem>> -> memref<1x128x128xf32, #tpu.memory_space<vmem>>
        %dma_start3A_100 = tpu.memref_squeeze %dma_start3A_99 : memref<1x128x128xf32, #tpu.memory_space<vmem>> -> memref<128x128xf32, #tpu.memory_space<vmem>>
        %dma_start3A_101 = arith.constant 0 : i32
        %dma_start3A_102 = tpu.memref_slice %arg8[%mul3A_54, %dma_start3A_101] : memref<40x128xi32, #tpu.memory_space<vmem>> -> memref<1x128xi32, #tpu.memory_space<vmem>>
        %dma_start3A_103 = tpu.memref_squeeze %dma_start3A_102 : memref<1x128xi32, #tpu.memory_space<vmem>> -> memref<128xi32, #tpu.memory_space<vmem>>
        %dma_start3A_104 = arith.constant 0 : i32
        %dma_start3A_105 = arith.constant 0 : i32
        %dma_start3A_106 = tpu.memref_slice %arg10[%dma_start3A_104, %dma_start3A_105] : memref<10240x128xf32, #tpu.memory_space<vmem_shared>> -> memref<10240x128xf32, #tpu.memory_space<vmem_shared>>
        tpu.enqueue_indirect_dma source(%dma_start3A_100 : memref<128x128xf32, #tpu.memory_space<vmem>>) target(%dma_start3A_106 : memref<10240x128xf32, #tpu.memory_space<vmem_shared>>) offsets(%dma_start3A_103 : memref<128xi32, #tpu.memory_space<vmem>>) semaphore(%run_scoped3A_96 : memref<!tpu.dma_semaphore, #tpu.memory_space<semaphore_mem>>) {add = true}
        %dma_wait3A_107 = arith.constant 0 : i32
        %dma_wait3A_108 = arith.constant 0 : i32
        %dma_wait3A_109 = tpu.memref_slice %arg9[%run_scoped3A, %dma_wait3A_107, %dma_wait3A_108] : memref<2x128x128xf32, #tpu.memory_space<vmem>> -> memref<1x128x128xf32, #tpu.memory_space<vmem>>
        %dma_wait3A_110 = tpu.memref_squeeze %dma_wait3A_109 : memref<1x128x128xf32, #tpu.memory_space<vmem>> -> memref<128x128xf32, #tpu.memory_space<vmem>>
        %dma_wait3A_111 = arith.constant 0 : i32
        %dma_wait3A_112 = tpu.memref_slice %arg8[%mul3A_54, %dma_wait3A_111] : memref<40x128xi32, #tpu.memory_space<vmem>> -> memref<1x128xi32, #tpu.memory_space<vmem>>
        %dma_wait3A_113 = tpu.memref_squeeze %dma_wait3A_112 : memref<1x128xi32, #tpu.memory_space<vmem>> -> memref<128xi32, #tpu.memory_space<vmem>>
        %dma_wait3A_114 = arith.constant 0 : i32
        %dma_wait3A_115 = arith.constant 0 : i32
        %dma_wait3A_116 = tpu.memref_slice %arg10[%dma_wait3A_114, %dma_wait3A_115] : memref<10240x128xf32, #tpu.memory_space<vmem_shared>> -> memref<10240x128xf32, #tpu.memory_space<vmem_shared>>
        tpu.wait_indirect_dma semaphore(%run_scoped3A_96 : memref<!tpu.dma_semaphore, #tpu.memory_space<semaphore_mem>>) src(%dma_wait3A_110 : memref<128x128xf32, #tpu.memory_space<vmem>>) dst(%dma_wait3A_116 : memref<10240x128xf32, #tpu.memory_space<vmem_shared>>)
        tpu.yield
      }) : () -> ()
      %add3A_78 = arith.constant 1 : i32
      %add3A_79 = arith.addi %mul3A_54, %add3A_78 : i32
      %dma_wait3A_80 = arith.constant 1 : i32
      %dma_wait3A_81 = arith.constant 0 : i32
      %dma_wait3A_82 = arith.constant 0 : i32
      %dma_wait3A_83 = tpu.memref_slice %arg9[%dma_wait3A_80, %dma_wait3A_81, %dma_wait3A_82] : memref<2x128x128xf32, #tpu.memory_space<vmem>> -> memref<1x128x128xf32, #tpu.memory_space<vmem>>
      %dma_wait3A_84 = tpu.memref_squeeze %dma_wait3A_83 : memref<1x128x128xf32, #tpu.memory_space<vmem>> -> memref<128x128xf32, #tpu.memory_space<vmem>>
      %dma_wait3A_85 = arith.constant 0 : i32
      %dma_wait3A_86 = tpu.memref_slice %arg7[%add3A_79, %dma_wait3A_85] : memref<40x128xi32, #tpu.memory_space<vmem>> -> memref<1x128xi32, #tpu.memory_space<vmem>>
      %dma_wait3A_87 = tpu.memref_squeeze %dma_wait3A_86 : memref<1x128xi32, #tpu.memory_space<vmem>> -> memref<128xi32, #tpu.memory_space<vmem>>
      %dma_wait3A_88 = arith.constant 0 : i32
      %dma_wait3A_89 = arith.constant 0 : i32
      %dma_wait3A_90 = tpu.memref_slice %arg2[%dma_wait3A_88, %dma_wait3A_89] : memref<10000x128xf32, #tpu.memory_space<hbm>> -> memref<10000x128xf32, #tpu.memory_space<hbm>>
      tpu.wait_indirect_dma semaphore(%arg11 : memref<!tpu.dma_semaphore, #tpu.memory_space<semaphore_mem>>) src(%dma_wait3A_90 : memref<10000x128xf32, #tpu.memory_space<hbm>>) dst(%dma_wait3A_84 : memref<128x128xf32, #tpu.memory_space<vmem>>)
      %lt3A = arith.constant 19 : i32
      %lt3A_91 = arith.cmpi slt, %scan3A_52, %lt3A : i32
      %convert_element_type3A = arith.extui %lt3A_91 : i1 to i32
      %cond3A = arith.constant 0 : i32
      %cond3A_92 = arith.cmpi ne, %convert_element_type3A, %cond3A : i32
      scf.if %cond3A_92 {
        %add3A_96 = arith.constant 2 : i32
        %add3A_97 = arith.addi %mul3A_54, %add3A_96 : i32
        %dma_start3A_98 = arith.constant 0 : i32
        %dma_start3A_99 = arith.constant 0 : i32
        %dma_start3A_100 = arith.constant 0 : i32
        %dma_start3A_101 = tpu.memref_slice %arg9[%dma_start3A_98, %dma_start3A_99, %dma_start3A_100] : memref<2x128x128xf32, #tpu.memory_space<vmem>> -> memref<1x128x128xf32, #tpu.memory_space<vmem>>
        %dma_start3A_102 = tpu.memref_squeeze %dma_start3A_101 : memref<1x128x128xf32, #tpu.memory_space<vmem>> -> memref<128x128xf32, #tpu.memory_space<vmem>>
        %dma_start3A_103 = arith.constant 0 : i32
        %dma_start3A_104 = tpu.memref_slice %arg7[%add3A_97, %dma_start3A_103] : memref<40x128xi32, #tpu.memory_space<vmem>> -> memref<1x128xi32, #tpu.memory_space<vmem>>
        %dma_start3A_105 = tpu.memref_squeeze %dma_start3A_104 : memref<1x128xi32, #tpu.memory_space<vmem>> -> memref<128xi32, #tpu.memory_space<vmem>>
        %dma_start3A_106 = arith.constant 0 : i32
        %dma_start3A_107 = arith.constant 0 : i32
        %dma_start3A_108 = tpu.memref_slice %arg2[%dma_start3A_106, %dma_start3A_107] : memref<10000x128xf32, #tpu.memory_space<hbm>> -> memref<10000x128xf32, #tpu.memory_space<hbm>>
        tpu.enqueue_indirect_dma source(%dma_start3A_108 : memref<10000x128xf32, #tpu.memory_space<hbm>>) target(%dma_start3A_102 : memref<128x128xf32, #tpu.memory_space<vmem>>) offsets(%dma_start3A_105 : memref<128xi32, #tpu.memory_space<vmem>>) semaphore(%arg11 : memref<!tpu.dma_semaphore, #tpu.memory_space<semaphore_mem>>)
      } else {
      }
      %add3A_93 = arith.constant 1 : i32
      %add3A_94 = arith.addi %mul3A_54, %add3A_93 : i32
      %run_scoped3A_95 = arith.constant 1 : i32
      "tpu.region"() ({
        %run_scoped3A_96 = tpu.sem_alloc : memref<!tpu.dma_semaphore, #tpu.memory_space<semaphore_mem>>
        %dma_start3A_97 = arith.constant 0 : i32
        %dma_start3A_98 = arith.constant 0 : i32
        %dma_start3A_99 = tpu.memref_slice %arg9[%run_scoped3A_95, %dma_start3A_97, %dma_start3A_98] : memref<2x128x128xf32, #tpu.memory_space<vmem>> -> memref<1x128x128xf32, #tpu.memory_space<vmem>>
        %dma_start3A_100 = tpu.memref_squeeze %dma_start3A_99 : memref<1x128x128xf32, #tpu.memory_space<vmem>> -> memref<128x128xf32, #tpu.memory_space<vmem>>
        %dma_start3A_101 = arith.constant 0 : i32
        %dma_start3A_102 = tpu.memref_slice %arg8[%add3A_94, %dma_start3A_101] : memref<40x128xi32, #tpu.memory_space<vmem>> -> memref<1x128xi32, #tpu.memory_space<vmem>>
        %dma_start3A_103 = tpu.memref_squeeze %dma_start3A_102 : memref<1x128xi32, #tpu.memory_space<vmem>> -> memref<128xi32, #tpu.memory_space<vmem>>
        %dma_start3A_104 = arith.constant 0 : i32
        %dma_start3A_105 = arith.constant 0 : i32
        %dma_start3A_106 = tpu.memref_slice %arg10[%dma_start3A_104, %dma_start3A_105] : memref<10240x128xf32, #tpu.memory_space<vmem_shared>> -> memref<10240x128xf32, #tpu.memory_space<vmem_shared>>
        tpu.enqueue_indirect_dma source(%dma_start3A_100 : memref<128x128xf32, #tpu.memory_space<vmem>>) target(%dma_start3A_106 : memref<10240x128xf32, #tpu.memory_space<vmem_shared>>) offsets(%dma_start3A_103 : memref<128xi32, #tpu.memory_space<vmem>>) semaphore(%run_scoped3A_96 : memref<!tpu.dma_semaphore, #tpu.memory_space<semaphore_mem>>) {add = true}
        %dma_wait3A_107 = arith.constant 0 : i32
        %dma_wait3A_108 = arith.constant 0 : i32
        %dma_wait3A_109 = tpu.memref_slice %arg9[%run_scoped3A_95, %dma_wait3A_107, %dma_wait3A_108] : memref<2x128x128xf32, #tpu.memory_space<vmem>> -> memref<1x128x128xf32, #tpu.memory_space<vmem>>
        %dma_wait3A_110 = tpu.memref_squeeze %dma_wait3A_109 : memref<1x128x128xf32, #tpu.memory_space<vmem>> -> memref<128x128xf32, #tpu.memory_space<vmem>>
        %dma_wait3A_111 = arith.constant 0 : i32
        %dma_wait3A_112 = tpu.memref_slice %arg8[%add3A_94, %dma_wait3A_111] : memref<40x128xi32, #tpu.memory_space<vmem>> -> memref<1x128xi32, #tpu.memory_space<vmem>>
        %dma_wait3A_113 = tpu.memref_squeeze %dma_wait3A_112 : memref<1x128xi32, #tpu.memory_space<vmem>> -> memref<128xi32, #tpu.memory_space<vmem>>
        %dma_wait3A_114 = arith.constant 0 : i32
        %dma_wait3A_115 = arith.constant 0 : i32
        %dma_wait3A_116 = tpu.memref_slice %arg10[%dma_wait3A_114, %dma_wait3A_115] : memref<10240x128xf32, #tpu.memory_space<vmem_shared>> -> memref<10240x128xf32, #tpu.memory_space<vmem_shared>>
        tpu.wait_indirect_dma semaphore(%run_scoped3A_96 : memref<!tpu.dma_semaphore, #tpu.memory_space<semaphore_mem>>) src(%dma_wait3A_110 : memref<128x128xf32, #tpu.memory_space<vmem>>) dst(%dma_wait3A_116 : memref<10240x128xf32, #tpu.memory_space<vmem_shared>>)
        tpu.yield
      }) : () -> ()
    }
    %scan3A_24 = arith.constant 20 : i32
    %add3A_25 = arith.constant 40 : i32
    %add3A_26 = arith.addi %add3A, %add3A_25 : i32
    "tpu.region"() ({
      %run_scoped3A = tpu.sem_alloc : memref<!tpu.dma_semaphore, #tpu.memory_space<semaphore_mem>>
      %dma_start3A_52 = arith.constant 0 : i32
      %dma_start3A_53 = tpu.memref_slice %arg3[%add3A_26, %dma_start3A_52] : memref<2560x128xi32, #tpu.memory_space<hbm>> -> memref<40x128xi32, #tpu.memory_space<hbm>>
      %dma_start3A_54 = arith.constant 0 : i32
      %dma_start3A_55 = tpu.memref_slice %arg3[%add3A_26, %dma_start3A_54] : memref<2560x128xi32, #tpu.memory_space<hbm>> -> memref<40x128xi32, #tpu.memory_space<hbm>>
      tpu.enqueue_dma source(%dma_start3A_55 : memref<40x128xi32, #tpu.memory_space<hbm>>) target(%arg7 : memref<40x128xi32, #tpu.memory_space<vmem>>) target_semaphore(%run_scoped3A : memref<!tpu.dma_semaphore, #tpu.memory_space<semaphore_mem>>)
      %dma_wait3A = arith.constant 0 : i32
      %dma_wait3A_56 = tpu.memref_slice %arg3[%add3A_26, %dma_wait3A] : memref<2560x128xi32, #tpu.memory_space<hbm>> -> memref<40x128xi32, #tpu.memory_space<hbm>>
      %dma_wait3A_57 = arith.constant 0 : i32
      %dma_wait3A_58 = tpu.memref_slice %arg3[%add3A_26, %dma_wait3A_57] : memref<2560x128xi32, #tpu.memory_space<hbm>> -> memref<40x128xi32, #tpu.memory_space<hbm>>
      tpu.wait_dma2 semaphore(%run_scoped3A : memref<!tpu.dma_semaphore, #tpu.memory_space<semaphore_mem>>) src(%dma_wait3A_58 : memref<40x128xi32, #tpu.memory_space<hbm>>) dst(%arg7 : memref<40x128xi32, #tpu.memory_space<vmem>>)
      tpu.yield
    }) : () -> ()
    %add3A_27 = arith.constant 40 : i32
    %add3A_28 = arith.addi %add3A, %add3A_27 : i32
    "tpu.region"() ({
      %run_scoped3A = tpu.sem_alloc : memref<!tpu.dma_semaphore, #tpu.memory_space<semaphore_mem>>
      %dma_start3A_52 = arith.constant 0 : i32
      %dma_start3A_53 = tpu.memref_slice %arg4[%add3A_28, %dma_start3A_52] : memref<2560x128xi32, #tpu.memory_space<hbm>> -> memref<40x128xi32, #tpu.memory_space<hbm>>
      %dma_start3A_54 = arith.constant 0 : i32
      %dma_start3A_55 = tpu.memref_slice %arg4[%add3A_28, %dma_start3A_54] : memref<2560x128xi32, #tpu.memory_space<hbm>> -> memref<40x128xi32, #tpu.memory_space<hbm>>
      tpu.enqueue_dma source(%dma_start3A_55 : memref<40x128xi32, #tpu.memory_space<hbm>>) target(%arg8 : memref<40x128xi32, #tpu.memory_space<vmem>>) target_semaphore(%run_scoped3A : memref<!tpu.dma_semaphore, #tpu.memory_space<semaphore_mem>>)
      %dma_wait3A = arith.constant 0 : i32
      %dma_wait3A_56 = tpu.memref_slice %arg4[%add3A_28, %dma_wait3A] : memref<2560x128xi32, #tpu.memory_space<hbm>> -> memref<40x128xi32, #tpu.memory_space<hbm>>
      %dma_wait3A_57 = arith.constant 0 : i32
      %dma_wait3A_58 = tpu.memref_slice %arg4[%add3A_28, %dma_wait3A_57] : memref<2560x128xi32, #tpu.memory_space<hbm>> -> memref<40x128xi32, #tpu.memory_space<hbm>>
      tpu.wait_dma2 semaphore(%run_scoped3A : memref<!tpu.dma_semaphore, #tpu.memory_space<semaphore_mem>>) src(%dma_wait3A_58 : memref<40x128xi32, #tpu.memory_space<hbm>>) dst(%arg8 : memref<40x128xi32, #tpu.memory_space<vmem>>)
      tpu.yield
    }) : () -> ()
    %dma_start3A_29 = arith.constant 0 : i32
    %dma_start3A_30 = arith.constant 0 : i32
    %dma_start3A_31 = arith.constant 0 : i32
    %dma_start3A_32 = arith.constant 0 : i32
    %dma_start3A_33 = tpu.memref_slice %arg9[%dma_start3A_30, %dma_start3A_31, %dma_start3A_32] : memref<2x128x128xf32, #tpu.memory_space<vmem>> -> memref<1x128x128xf32, #tpu.memory_space<vmem>>
    %dma_start3A_34 = tpu.memref_squeeze %dma_start3A_33 : memref<1x128x128xf32, #tpu.memory_space<vmem>> -> memref<128x128xf32, #tpu.memory_space<vmem>>
    %dma_start3A_35 = arith.constant 0 : i32
    %dma_start3A_36 = tpu.memref_slice %arg7[%dma_start3A_29, %dma_start3A_35] : memref<40x128xi32, #tpu.memory_space<vmem>> -> memref<1x128xi32, #tpu.memory_space<vmem>>
    %dma_start3A_37 = tpu.memref_squeeze %dma_start3A_36 : memref<1x128xi32, #tpu.memory_space<vmem>> -> memref<128xi32, #tpu.memory_space<vmem>>
    %dma_start3A_38 = arith.constant 0 : i32
    %dma_start3A_39 = arith.constant 0 : i32
    %dma_start3A_40 = tpu.memref_slice %arg2[%dma_start3A_38, %dma_start3A_39] : memref<10000x128xf32, #tpu.memory_space<hbm>> -> memref<10000x128xf32, #tpu.memory_space<hbm>>
    tpu.enqueue_indirect_dma source(%dma_start3A_40 : memref<10000x128xf32, #tpu.memory_space<hbm>>) target(%dma_start3A_34 : memref<128x128xf32, #tpu.memory_space<vmem>>) offsets(%dma_start3A_37 : memref<128xi32, #tpu.memory_space<vmem>>) semaphore(%arg11 : memref<!tpu.dma_semaphore, #tpu.memory_space<semaphore_mem>>)
    %scan3A_41 = arith.constant 0 : i32
    %scan3A_42 = arith.constant 0 : i32
    %scan3A_43 = arith.constant 20 : i32
    %scan3A_44 = arith.addi %scan3A_42, %scan3A_43 : i32
    %scan3A_45 = arith.constant 1 : i32
    scf.for %scan3A_52 = %scan3A_42 to %scan3A_44 step %scan3A_45  : i32 {
      %mul3A_53 = arith.constant 2 : i32
      %mul3A_54 = arith.muli %mul3A_53, %scan3A_52 : i32
      %dma_wait3A = arith.constant 0 : i32
      %dma_wait3A_55 = arith.constant 0 : i32
      %dma_wait3A_56 = arith.constant 0 : i32
      %dma_wait3A_57 = tpu.memref_slice %arg9[%dma_wait3A, %dma_wait3A_55, %dma_wait3A_56] : memref<2x128x128xf32, #tpu.memory_space<vmem>> -> memref<1x128x128xf32, #tpu.memory_space<vmem>>
      %dma_wait3A_58 = tpu.memref_squeeze %dma_wait3A_57 : memref<1x128x128xf32, #tpu.memory_space<vmem>> -> memref<128x128xf32, #tpu.memory_space<vmem>>
      %dma_wait3A_59 = arith.constant 0 : i32
      %dma_wait3A_60 = tpu.memref_slice %arg7[%mul3A_54, %dma_wait3A_59] : memref<40x128xi32, #tpu.memory_space<vmem>> -> memref<1x128xi32, #tpu.memory_space<vmem>>
      %dma_wait3A_61 = tpu.memref_squeeze %dma_wait3A_60 : memref<1x128xi32, #tpu.memory_space<vmem>> -> memref<128xi32, #tpu.memory_space<vmem>>
      %dma_wait3A_62 = arith.constant 0 : i32
      %dma_wait3A_63 = arith.constant 0 : i32
      %dma_wait3A_64 = tpu.memref_slice %arg2[%dma_wait3A_62, %dma_wait3A_63] : memref<10000x128xf32, #tpu.memory_space<hbm>> -> memref<10000x128xf32, #tpu.memory_space<hbm>>
      tpu.wait_indirect_dma semaphore(%arg11 : memref<!tpu.dma_semaphore, #tpu.memory_space<semaphore_mem>>) src(%dma_wait3A_64 : memref<10000x128xf32, #tpu.memory_space<hbm>>) dst(%dma_wait3A_58 : memref<128x128xf32, #tpu.memory_space<vmem>>)
      %add3A_65 = arith.constant 1 : i32
      %add3A_66 = arith.addi %mul3A_54, %add3A_65 : i32
      %dma_start3A_67 = arith.constant 1 : i32
      %dma_start3A_68 = arith.constant 0 : i32
      %dma_start3A_69 = arith.constant 0 : i32
      %dma_start3A_70 = tpu.memref_slice %arg9[%dma_start3A_67, %dma_start3A_68, %dma_start3A_69] : memref<2x128x128xf32, #tpu.memory_space<vmem>> -> memref<1x128x128xf32, #tpu.memory_space<vmem>>
      %dma_start3A_71 = tpu.memref_squeeze %dma_start3A_70 : memref<1x128x128xf32, #tpu.memory_space<vmem>> -> memref<128x128xf32, #tpu.memory_space<vmem>>
      %dma_start3A_72 = arith.constant 0 : i32
      %dma_start3A_73 = tpu.memref_slice %arg7[%add3A_66, %dma_start3A_72] : memref<40x128xi32, #tpu.memory_space<vmem>> -> memref<1x128xi32, #tpu.memory_space<vmem>>
      %dma_start3A_74 = tpu.memref_squeeze %dma_start3A_73 : memref<1x128xi32, #tpu.memory_space<vmem>> -> memref<128xi32, #tpu.memory_space<vmem>>
      %dma_start3A_75 = arith.constant 0 : i32
      %dma_start3A_76 = arith.constant 0 : i32
      %dma_start3A_77 = tpu.memref_slice %arg2[%dma_start3A_75, %dma_start3A_76] : memref<10000x128xf32, #tpu.memory_space<hbm>> -> memref<10000x128xf32, #tpu.memory_space<hbm>>
      tpu.enqueue_indirect_dma source(%dma_start3A_77 : memref<10000x128xf32, #tpu.memory_space<hbm>>) target(%dma_start3A_71 : memref<128x128xf32, #tpu.memory_space<vmem>>) offsets(%dma_start3A_74 : memref<128xi32, #tpu.memory_space<vmem>>) semaphore(%arg11 : memref<!tpu.dma_semaphore, #tpu.memory_space<semaphore_mem>>)
      %run_scoped3A = arith.constant 0 : i32
      "tpu.region"() ({
        %run_scoped3A_96 = tpu.sem_alloc : memref<!tpu.dma_semaphore, #tpu.memory_space<semaphore_mem>>
        %dma_start3A_97 = arith.constant 0 : i32
        %dma_start3A_98 = arith.constant 0 : i32
        %dma_start3A_99 = tpu.memref_slice %arg9[%run_scoped3A, %dma_start3A_97, %dma_start3A_98] : memref<2x128x128xf32, #tpu.memory_space<vmem>> -> memref<1x128x128xf32, #tpu.memory_space<vmem>>
        %dma_start3A_100 = tpu.memref_squeeze %dma_start3A_99 : memref<1x128x128xf32, #tpu.memory_space<vmem>> -> memref<128x128xf32, #tpu.memory_space<vmem>>
        %dma_start3A_101 = arith.constant 0 : i32
        %dma_start3A_102 = tpu.memref_slice %arg8[%mul3A_54, %dma_start3A_101] : memref<40x128xi32, #tpu.memory_space<vmem>> -> memref<1x128xi32, #tpu.memory_space<vmem>>
        %dma_start3A_103 = tpu.memref_squeeze %dma_start3A_102 : memref<1x128xi32, #tpu.memory_space<vmem>> -> memref<128xi32, #tpu.memory_space<vmem>>
        %dma_start3A_104 = arith.constant 0 : i32
        %dma_start3A_105 = arith.constant 0 : i32
        %dma_start3A_106 = tpu.memref_slice %arg10[%dma_start3A_104, %dma_start3A_105] : memref<10240x128xf32, #tpu.memory_space<vmem_shared>> -> memref<10240x128xf32, #tpu.memory_space<vmem_shared>>
        tpu.enqueue_indirect_dma source(%dma_start3A_100 : memref<128x128xf32, #tpu.memory_space<vmem>>) target(%dma_start3A_106 : memref<10240x128xf32, #tpu.memory_space<vmem_shared>>) offsets(%dma_start3A_103 : memref<128xi32, #tpu.memory_space<vmem>>) semaphore(%run_scoped3A_96 : memref<!tpu.dma_semaphore, #tpu.memory_space<semaphore_mem>>) {add = true}
        %dma_wait3A_107 = arith.constant 0 : i32
        %dma_wait3A_108 = arith.constant 0 : i32
        %dma_wait3A_109 = tpu.memref_slice %arg9[%run_scoped3A, %dma_wait3A_107, %dma_wait3A_108] : memref<2x128x128xf32, #tpu.memory_space<vmem>> -> memref<1x128x128xf32, #tpu.memory_space<vmem>>
        %dma_wait3A_110 = tpu.memref_squeeze %dma_wait3A_109 : memref<1x128x128xf32, #tpu.memory_space<vmem>> -> memref<128x128xf32, #tpu.memory_space<vmem>>
        %dma_wait3A_111 = arith.constant 0 : i32
        %dma_wait3A_112 = tpu.memref_slice %arg8[%mul3A_54, %dma_wait3A_111] : memref<40x128xi32, #tpu.memory_space<vmem>> -> memref<1x128xi32, #tpu.memory_space<vmem>>
        %dma_wait3A_113 = tpu.memref_squeeze %dma_wait3A_112 : memref<1x128xi32, #tpu.memory_space<vmem>> -> memref<128xi32, #tpu.memory_space<vmem>>
        %dma_wait3A_114 = arith.constant 0 : i32
        %dma_wait3A_115 = arith.constant 0 : i32
        %dma_wait3A_116 = tpu.memref_slice %arg10[%dma_wait3A_114, %dma_wait3A_115] : memref<10240x128xf32, #tpu.memory_space<vmem_shared>> -> memref<10240x128xf32, #tpu.memory_space<vmem_shared>>
        tpu.wait_indirect_dma semaphore(%run_scoped3A_96 : memref<!tpu.dma_semaphore, #tpu.memory_space<semaphore_mem>>) src(%dma_wait3A_110 : memref<128x128xf32, #tpu.memory_space<vmem>>) dst(%dma_wait3A_116 : memref<10240x128xf32, #tpu.memory_space<vmem_shared>>)
        tpu.yield
      }) : () -> ()
      %add3A_78 = arith.constant 1 : i32
      %add3A_79 = arith.addi %mul3A_54, %add3A_78 : i32
      %dma_wait3A_80 = arith.constant 1 : i32
      %dma_wait3A_81 = arith.constant 0 : i32
      %dma_wait3A_82 = arith.constant 0 : i32
      %dma_wait3A_83 = tpu.memref_slice %arg9[%dma_wait3A_80, %dma_wait3A_81, %dma_wait3A_82] : memref<2x128x128xf32, #tpu.memory_space<vmem>> -> memref<1x128x128xf32, #tpu.memory_space<vmem>>
      %dma_wait3A_84 = tpu.memref_squeeze %dma_wait3A_83 : memref<1x128x128xf32, #tpu.memory_space<vmem>> -> memref<128x128xf32, #tpu.memory_space<vmem>>
      %dma_wait3A_85 = arith.constant 0 : i32
      %dma_wait3A_86 = tpu.memref_slice %arg7[%add3A_79, %dma_wait3A_85] : memref<40x128xi32, #tpu.memory_space<vmem>> -> memref<1x128xi32, #tpu.memory_space<vmem>>
      %dma_wait3A_87 = tpu.memref_squeeze %dma_wait3A_86 : memref<1x128xi32, #tpu.memory_space<vmem>> -> memref<128xi32, #tpu.memory_space<vmem>>
      %dma_wait3A_88 = arith.constant 0 : i32
      %dma_wait3A_89 = arith.constant 0 : i32
      %dma_wait3A_90 = tpu.memref_slice %arg2[%dma_wait3A_88, %dma_wait3A_89] : memref<10000x128xf32, #tpu.memory_space<hbm>> -> memref<10000x128xf32, #tpu.memory_space<hbm>>
      tpu.wait_indirect_dma semaphore(%arg11 : memref<!tpu.dma_semaphore, #tpu.memory_space<semaphore_mem>>) src(%dma_wait3A_90 : memref<10000x128xf32, #tpu.memory_space<hbm>>) dst(%dma_wait3A_84 : memref<128x128xf32, #tpu.memory_space<vmem>>)
      %lt3A = arith.constant 19 : i32
      %lt3A_91 = arith.cmpi slt, %scan3A_52, %lt3A : i32
      %convert_element_type3A = arith.extui %lt3A_91 : i1 to i32
      %cond3A = arith.constant 0 : i32
      %cond3A_92 = arith.cmpi ne, %convert_element_type3A, %cond3A : i32
      scf.if %cond3A_92 {
        %add3A_96 = arith.constant 2 : i32
        %add3A_97 = arith.addi %mul3A_54, %add3A_96 : i32
        %dma_start3A_98 = arith.constant 0 : i32
        %dma_start3A_99 = arith.constant 0 : i32
        %dma_start3A_100 = arith.constant 0 : i32
        %dma_start3A_101 = tpu.memref_slice %arg9[%dma_start3A_98, %dma_start3A_99, %dma_start3A_100] : memref<2x128x128xf32, #tpu.memory_space<vmem>> -> memref<1x128x128xf32, #tpu.memory_space<vmem>>
        %dma_start3A_102 = tpu.memref_squeeze %dma_start3A_101 : memref<1x128x128xf32, #tpu.memory_space<vmem>> -> memref<128x128xf32, #tpu.memory_space<vmem>>
        %dma_start3A_103 = arith.constant 0 : i32
        %dma_start3A_104 = tpu.memref_slice %arg7[%add3A_97, %dma_start3A_103] : memref<40x128xi32, #tpu.memory_space<vmem>> -> memref<1x128xi32, #tpu.memory_space<vmem>>
        %dma_start3A_105 = tpu.memref_squeeze %dma_start3A_104 : memref<1x128xi32, #tpu.memory_space<vmem>> -> memref<128xi32, #tpu.memory_space<vmem>>
        %dma_start3A_106 = arith.constant 0 : i32
        %dma_start3A_107 = arith.constant 0 : i32
        %dma_start3A_108 = tpu.memref_slice %arg2[%dma_start3A_106, %dma_start3A_107] : memref<10000x128xf32, #tpu.memory_space<hbm>> -> memref<10000x128xf32, #tpu.memory_space<hbm>>
        tpu.enqueue_indirect_dma source(%dma_start3A_108 : memref<10000x128xf32, #tpu.memory_space<hbm>>) target(%dma_start3A_102 : memref<128x128xf32, #tpu.memory_space<vmem>>) offsets(%dma_start3A_105 : memref<128xi32, #tpu.memory_space<vmem>>) semaphore(%arg11 : memref<!tpu.dma_semaphore, #tpu.memory_space<semaphore_mem>>)
      } else {
      }
      %add3A_93 = arith.constant 1 : i32
      %add3A_94 = arith.addi %mul3A_54, %add3A_93 : i32
      %run_scoped3A_95 = arith.constant 1 : i32
      "tpu.region"() ({
        %run_scoped3A_96 = tpu.sem_alloc : memref<!tpu.dma_semaphore, #tpu.memory_space<semaphore_mem>>
        %dma_start3A_97 = arith.constant 0 : i32
        %dma_start3A_98 = arith.constant 0 : i32
        %dma_start3A_99 = tpu.memref_slice %arg9[%run_scoped3A_95, %dma_start3A_97, %dma_start3A_98] : memref<2x128x128xf32, #tpu.memory_space<vmem>> -> memref<1x128x128xf32, #tpu.memory_space<vmem>>
        %dma_start3A_100 = tpu.memref_squeeze %dma_start3A_99 : memref<1x128x128xf32, #tpu.memory_space<vmem>> -> memref<128x128xf32, #tpu.memory_space<vmem>>
        %dma_start3A_101 = arith.constant 0 : i32
        %dma_start3A_102 = tpu.memref_slice %arg8[%add3A_94, %dma_start3A_101] : memref<40x128xi32, #tpu.memory_space<vmem>> -> memref<1x128xi32, #tpu.memory_space<vmem>>
        %dma_start3A_103 = tpu.memref_squeeze %dma_start3A_102 : memref<1x128xi32, #tpu.memory_space<vmem>> -> memref<128xi32, #tpu.memory_space<vmem>>
        %dma_start3A_104 = arith.constant 0 : i32
        %dma_start3A_105 = arith.constant 0 : i32
        %dma_start3A_106 = tpu.memref_slice %arg10[%dma_start3A_104, %dma_start3A_105] : memref<10240x128xf32, #tpu.memory_space<vmem_shared>> -> memref<10240x128xf32, #tpu.memory_space<vmem_shared>>
        tpu.enqueue_indirect_dma source(%dma_start3A_100 : memref<128x128xf32, #tpu.memory_space<vmem>>) target(%dma_start3A_106 : memref<10240x128xf32, #tpu.memory_space<vmem_shared>>) offsets(%dma_start3A_103 : memref<128xi32, #tpu.memory_space<vmem>>) semaphore(%run_scoped3A_96 : memref<!tpu.dma_semaphore, #tpu.memory_space<semaphore_mem>>) {add = true}
        %dma_wait3A_107 = arith.constant 0 : i32
        %dma_wait3A_108 = arith.constant 0 : i32
        %dma_wait3A_109 = tpu.memref_slice %arg9[%run_scoped3A_95, %dma_wait3A_107, %dma_wait3A_108] : memref<2x128x128xf32, #tpu.memory_space<vmem>> -> memref<1x128x128xf32, #tpu.memory_space<vmem>>
        %dma_wait3A_110 = tpu.memref_squeeze %dma_wait3A_109 : memref<1x128x128xf32, #tpu.memory_space<vmem>> -> memref<128x128xf32, #tpu.memory_space<vmem>>
        %dma_wait3A_111 = arith.constant 0 : i32
        %dma_wait3A_112 = tpu.memref_slice %arg8[%add3A_94, %dma_wait3A_111] : memref<40x128xi32, #tpu.memory_space<vmem>> -> memref<1x128xi32, #tpu.memory_space<vmem>>
        %dma_wait3A_113 = tpu.memref_squeeze %dma_wait3A_112 : memref<1x128xi32, #tpu.memory_space<vmem>> -> memref<128xi32, #tpu.memory_space<vmem>>
        %dma_wait3A_114 = arith.constant 0 : i32
        %dma_wait3A_115 = arith.constant 0 : i32
        %dma_wait3A_116 = tpu.memref_slice %arg10[%dma_wait3A_114, %dma_wait3A_115] : memref<10240x128xf32, #tpu.memory_space<vmem_shared>> -> memref<10240x128xf32, #tpu.memory_space<vmem_shared>>
        tpu.wait_indirect_dma semaphore(%run_scoped3A_96 : memref<!tpu.dma_semaphore, #tpu.memory_space<semaphore_mem>>) src(%dma_wait3A_110 : memref<128x128xf32, #tpu.memory_space<vmem>>) dst(%dma_wait3A_116 : memref<10240x128xf32, #tpu.memory_space<vmem_shared>>)
        tpu.yield
      }) : () -> ()
    }
    %scan3A_46 = arith.constant 20 : i32
    %barrier3A_47 = arith.constant 0 : index
    tpu.barrier barrier_id(%barrier3A_47)
    %mul3A_48 = arith.constant 640 : i32
    %mul3A_49 = arith.muli %arg1, %mul3A_48 : i32
    %mul3A_50 = arith.constant 640 : i32
    %mul3A_51 = arith.muli %arg1, %mul3A_50 : i32
    "tpu.region"() ({
      %run_scoped3A = tpu.sem_alloc : memref<!tpu.dma_semaphore, #tpu.memory_space<semaphore_mem>>
      %dma_start3A_52 = arith.constant 0 : i32
      %dma_start3A_53 = tpu.memref_slice %arg6[%arg0, %mul3A_51, %dma_start3A_52] : memref<2x10240x128xf32, #tpu.memory_space<hbm>> -> memref<1x640x128xf32, #tpu.memory_space<hbm>>
      %dma_start3A_54 = tpu.memref_squeeze %dma_start3A_53 : memref<1x640x128xf32, #tpu.memory_space<hbm>> -> memref<640x128xf32, #tpu.memory_space<hbm>>
      %dma_start3A_55 = arith.constant 0 : i32
      %dma_start3A_56 = tpu.memref_slice %arg10[%mul3A_49, %dma_start3A_55] : memref<10240x128xf32, #tpu.memory_space<vmem_shared>> -> memref<640x128xf32, #tpu.memory_space<vmem_shared>>
      tpu.enqueue_dma source(%dma_start3A_56 : memref<640x128xf32, #tpu.memory_space<vmem_shared>>) target(%dma_start3A_54 : memref<640x128xf32, #tpu.memory_space<hbm>>) target_semaphore(%run_scoped3A : memref<!tpu.dma_semaphore, #tpu.memory_space<semaphore_mem>>)
      %dma_wait3A = arith.constant 0 : i32
      %dma_wait3A_57 = tpu.memref_slice %arg6[%arg0, %mul3A_51, %dma_wait3A] : memref<2x10240x128xf32, #tpu.memory_space<hbm>> -> memref<1x640x128xf32, #tpu.memory_space<hbm>>
      %dma_wait3A_58 = tpu.memref_squeeze %dma_wait3A_57 : memref<1x640x128xf32, #tpu.memory_space<hbm>> -> memref<640x128xf32, #tpu.memory_space<hbm>>
      %dma_wait3A_59 = arith.constant 0 : i32
      %dma_wait3A_60 = tpu.memref_slice %arg10[%mul3A_49, %dma_wait3A_59] : memref<10240x128xf32, #tpu.memory_space<vmem_shared>> -> memref<640x128xf32, #tpu.memory_space<vmem_shared>>
      tpu.wait_dma2 semaphore(%run_scoped3A : memref<!tpu.dma_semaphore, #tpu.memory_space<semaphore_mem>>) src(%dma_wait3A_60 : memref<640x128xf32, #tpu.memory_space<vmem_shared>>) dst(%dma_wait3A_58 : memref<640x128xf32, #tpu.memory_space<hbm>>)
      tpu.yield
    }) : () -> ()
    return
  }
}

#map = affine_map<(d0, d1) -> (0, 0)>
#map1 = affine_map<(d0, d1) -> (0, 0, 0)>
module attributes {stable_mosaic.version = 14 : i64} {
  func.func @_conv_body(%arg0: i32, %arg1: i32, %arg2: memref<10000x128xf32, #tpu.memory_space<hbm>>, %arg3: memref<2560x128xi32, #tpu.memory_space<hbm>>, %arg4: memref<2560x128xi32, #tpu.memory_space<hbm>>, %arg5: memref<640x128xf32, #tpu.memory_space<hbm>>, %arg6: memref<2x10240x128xf32, #tpu.memory_space<hbm>>, %arg7: memref<40x128xi32, #tpu.memory_space<vmem>>, %arg8: memref<40x128xi32, #tpu.memory_space<vmem>>, %arg9: memref<2x128x128xf32, #tpu.memory_space<vmem>>, %arg10: memref<10240x128xf32, #tpu.memory_space<vmem_shared>>, %arg11: memref<!tpu.dma_semaphore, #tpu.memory_space<semaphore_mem>>) attributes {dimension_semantics = [#tpu.dimension_semantics<core_parallel>, #tpu.dimension_semantics<subcore_parallel>], iteration_bounds = array<i64: 2, 16>, scalar_prefetch = 0 : i64, scratch_operands = 5 : i64, tpu.core_type = #tpu.core_type<sc_vector_subcore>, window_params = [{transform_indices = #map}, {transform_indices = #map}, {transform_indices = #map}, {transform_indices = #map}, {transform_indices = #map1}]} {
    %mul3A = arith.constant 1280 : i32
    %mul3A_0 = arith.muli %arg0, %mul3A : i32
    %mul3A_1 = arith.constant 80 : i32
    %mul3A_2 = arith.muli %arg1, %mul3A_1 : i32
    %add3A = arith.addi %mul3A_0, %mul3A_2 : i32
    %mul3A_3 = arith.constant 640 : i32
    %mul3A_4 = arith.muli %arg1, %mul3A_3 : i32
    "tpu.region"() ({
      %run_scoped3A = tpu.sem_alloc : memref<!tpu.dma_semaphore, #tpu.memory_space<semaphore_mem>>
      %dma_start3A_52 = arith.constant 0 : i32
      %dma_start3A_53 = tpu.memref_slice %arg10[%mul3A_4, %dma_start3A_52] : memref<10240x128xf32, #tpu.memory_space<vmem_shared>> -> memref<640x128xf32, #tpu.memory_space<vmem_shared>>
      tpu.enqueue_dma source(%arg5 : memref<640x128xf32, #tpu.memory_space<hbm>>) target(%dma_start3A_53 : memref<640x128xf32, #tpu.memory_space<vmem_shared>>) target_semaphore(%run_scoped3A : memref<!tpu.dma_semaphore, #tpu.memory_space<semaphore_mem>>)
      %dma_wait3A = arith.constant 0 : i32
      %dma_wait3A_54 = tpu.memref_slice %arg10[%mul3A_4, %dma_wait3A] : memref<10240x128xf32, #tpu.memory_space<vmem_shared>> -> memref<640x128xf32, #tpu.memory_space<vmem_shared>>
      tpu.wait_dma2 semaphore(%run_scoped3A : memref<!tpu.dma_semaphore, #tpu.memory_space<semaphore_mem>>) src(%arg5 : memref<640x128xf32, #tpu.memory_space<hbm>>) dst(%dma_wait3A_54 : memref<640x128xf32, #tpu.memory_space<vmem_shared>>)
      tpu.yield
    }) : () -> ()
    %barrier3A = arith.constant 0 : index
    tpu.barrier barrier_id(%barrier3A)
    %add3A_5 = arith.constant 0 : i32
    %add3A_6 = arith.addi %add3A, %add3A_5 : i32
    "tpu.region"() ({
      %run_scoped3A = tpu.sem_alloc : memref<!tpu.dma_semaphore, #tpu.memory_space<semaphore_mem>>
      %dma_start3A_52 = arith.constant 0 : i32
      %dma_start3A_53 = tpu.memref_slice %arg3[%add3A_6, %dma_start3A_52] : memref<2560x128xi32, #tpu.memory_space<hbm>> -> memref<40x128xi32, #tpu.memory_space<hbm>>
      %dma_start3A_54 = arith.constant 0 : i32
      %dma_start3A_55 = tpu.memref_slice %arg3[%add3A_6, %dma_start3A_54] : memref<2560x128xi32, #tpu.memory_space<hbm>> -> memref<40x128xi32, #tpu.memory_space<hbm>>
      tpu.enqueue_dma source(%dma_start3A_55 : memref<40x128xi32, #tpu.memory_space<hbm>>) target(%arg7 : memref<40x128xi32, #tpu.memory_space<vmem>>) target_semaphore(%run_scoped3A : memref<!tpu.dma_semaphore, #tpu.memory_space<semaphore_mem>>)
      %dma_wait3A = arith.constant 0 : i32
      %dma_wait3A_56 = tpu.memref_slice %arg3[%add3A_6, %dma_wait3A] : memref<2560x128xi32, #tpu.memory_space<hbm>> -> memref<40x128xi32, #tpu.memory_space<hbm>>
      %dma_wait3A_57 = arith.constant 0 : i32
      %dma_wait3A_58 = tpu.memref_slice %arg3[%add3A_6, %dma_wait3A_57] : memref<2560x128xi32, #tpu.memory_space<hbm>> -> memref<40x128xi32, #tpu.memory_space<hbm>>
      tpu.wait_dma2 semaphore(%run_scoped3A : memref<!tpu.dma_semaphore, #tpu.memory_space<semaphore_mem>>) src(%dma_wait3A_58 : memref<40x128xi32, #tpu.memory_space<hbm>>) dst(%arg7 : memref<40x128xi32, #tpu.memory_space<vmem>>)
      tpu.yield
    }) : () -> ()
    %add3A_7 = arith.constant 0 : i32
    %add3A_8 = arith.addi %add3A, %add3A_7 : i32
    "tpu.region"() ({
      %run_scoped3A = tpu.sem_alloc : memref<!tpu.dma_semaphore, #tpu.memory_space<semaphore_mem>>
      %dma_start3A_52 = arith.constant 0 : i32
      %dma_start3A_53 = tpu.memref_slice %arg4[%add3A_8, %dma_start3A_52] : memref<2560x128xi32, #tpu.memory_space<hbm>> -> memref<40x128xi32, #tpu.memory_space<hbm>>
      %dma_start3A_54 = arith.constant 0 : i32
      %dma_start3A_55 = tpu.memref_slice %arg4[%add3A_8, %dma_start3A_54] : memref<2560x128xi32, #tpu.memory_space<hbm>> -> memref<40x128xi32, #tpu.memory_space<hbm>>
      tpu.enqueue_dma source(%dma_start3A_55 : memref<40x128xi32, #tpu.memory_space<hbm>>) target(%arg8 : memref<40x128xi32, #tpu.memory_space<vmem>>) target_semaphore(%run_scoped3A : memref<!tpu.dma_semaphore, #tpu.memory_space<semaphore_mem>>)
      %dma_wait3A = arith.constant 0 : i32
      %dma_wait3A_56 = tpu.memref_slice %arg4[%add3A_8, %dma_wait3A] : memref<2560x128xi32, #tpu.memory_space<hbm>> -> memref<40x128xi32, #tpu.memory_space<hbm>>
      %dma_wait3A_57 = arith.constant 0 : i32
      %dma_wait3A_58 = tpu.memref_slice %arg4[%add3A_8, %dma_wait3A_57] : memref<2560x128xi32, #tpu.memory_space<hbm>> -> memref<40x128xi32, #tpu.memory_space<hbm>>
      tpu.wait_dma2 semaphore(%run_scoped3A : memref<!tpu.dma_semaphore, #tpu.memory_space<semaphore_mem>>) src(%dma_wait3A_58 : memref<40x128xi32, #tpu.memory_space<hbm>>) dst(%arg8 : memref<40x128xi32, #tpu.memory_space<vmem>>)
      tpu.yield
    }) : () -> ()
    %dma_start3A = arith.constant 0 : i32
    %dma_start3A_9 = arith.constant 0 : i32
    %dma_start3A_10 = arith.constant 0 : i32
    %dma_start3A_11 = arith.constant 0 : i32
    %dma_start3A_12 = tpu.memref_slice %arg9[%dma_start3A_9, %dma_start3A_10, %dma_start3A_11] : memref<2x128x128xf32, #tpu.memory_space<vmem>> -> memref<1x128x128xf32, #tpu.memory_space<vmem>>
    %dma_start3A_13 = tpu.memref_squeeze %dma_start3A_12 : memref<1x128x128xf32, #tpu.memory_space<vmem>> -> memref<128x128xf32, #tpu.memory_space<vmem>>
    %dma_start3A_14 = arith.constant 0 : i32
    %dma_start3A_15 = tpu.memref_slice %arg7[%dma_start3A, %dma_start3A_14] : memref<40x128xi32, #tpu.memory_space<vmem>> -> memref<1x128xi32, #tpu.memory_space<vmem>>
    %dma_start3A_16 = tpu.memref_squeeze %dma_start3A_15 : memref<1x128xi32, #tpu.memory_space<vmem>> -> memref<128xi32, #tpu.memory_space<vmem>>
    %dma_start3A_17 = arith.constant 0 : i32
    %dma_start3A_18 = arith.constant 0 : i32
    %dma_start3A_19 = tpu.memref_slice %arg2[%dma_start3A_17, %dma_start3A_18] : memref<10000x128xf32, #tpu.memory_space<hbm>> -> memref<10000x128xf32, #tpu.memory_space<hbm>>
    tpu.enqueue_indirect_dma source(%dma_start3A_19 : memref<10000x128xf32, #tpu.memory_space<hbm>>) target(%dma_start3A_13 : memref<128x128xf32, #tpu.memory_space<vmem>>) offsets(%dma_start3A_16 : memref<128xi32, #tpu.memory_space<vmem>>) semaphore(%arg11 : memref<!tpu.dma_semaphore, #tpu.memory_space<semaphore_mem>>)
    %scan3A = arith.constant 0 : i32
    %scan3A_20 = arith.constant 0 : i32
    %scan3A_21 = arith.constant 20 : i32
    %scan3A_22 = arith.addi %scan3A_20, %scan3A_21 : i32
    %scan3A_23 = arith.constant 1 : i32
    scf.for %scan3A_52 = %scan3A_20 to %scan3A_22 step %scan3A_23  : i32 {
      %mul3A_53 = arith.constant 2 : i32
      %mul3A_54 = arith.muli %mul3A_53, %scan3A_52 : i32
      %dma_wait3A = arith.constant 0 : i32
      %dma_wait3A_55 = arith.constant 0 : i32
      %dma_wait3A_56 = arith.constant 0 : i32
      %dma_wait3A_57 = tpu.memref_slice %arg9[%dma_wait3A, %dma_wait3A_55, %dma_wait3A_56] : memref<2x128x128xf32, #tpu.memory_space<vmem>> -> memref<1x128x128xf32, #tpu.memory_space<vmem>>
      %dma_wait3A_58 = tpu.memref_squeeze %dma_wait3A_57 : memref<1x128x128xf32, #tpu.memory_space<vmem>> -> memref<128x128xf32, #tpu.memory_space<vmem>>
      %dma_wait3A_59 = arith.constant 0 : i32
      %dma_wait3A_60 = tpu.memref_slice %arg7[%mul3A_54, %dma_wait3A_59] : memref<40x128xi32, #tpu.memory_space<vmem>> -> memref<1x128xi32, #tpu.memory_space<vmem>>
      %dma_wait3A_61 = tpu.memref_squeeze %dma_wait3A_60 : memref<1x128xi32, #tpu.memory_space<vmem>> -> memref<128xi32, #tpu.memory_space<vmem>>
      %dma_wait3A_62 = arith.constant 0 : i32
      %dma_wait3A_63 = arith.constant 0 : i32
      %dma_wait3A_64 = tpu.memref_slice %arg2[%dma_wait3A_62, %dma_wait3A_63] : memref<10000x128xf32, #tpu.memory_space<hbm>> -> memref<10000x128xf32, #tpu.memory_space<hbm>>
      tpu.wait_indirect_dma semaphore(%arg11 : memref<!tpu.dma_semaphore, #tpu.memory_space<semaphore_mem>>) src(%dma_wait3A_64 : memref<10000x128xf32, #tpu.memory_space<hbm>>) dst(%dma_wait3A_58 : memref<128x128xf32, #tpu.memory_space<vmem>>)
      %add3A_65 = arith.constant 1 : i32
      %add3A_66 = arith.addi %mul3A_54, %add3A_65 : i32
      %dma_start3A_67 = arith.constant 1 : i32
      %dma_start3A_68 = arith.constant 0 : i32
      %dma_start3A_69 = arith.constant 0 : i32
      %dma_start3A_70 = tpu.memref_slice %arg9[%dma_start3A_67, %dma_start3A_68, %dma_start3A_69] : memref<2x128x128xf32, #tpu.memory_space<vmem>> -> memref<1x128x128xf32, #tpu.memory_space<vmem>>
      %dma_start3A_71 = tpu.memref_squeeze %dma_start3A_70 : memref<1x128x128xf32, #tpu.memory_space<vmem>> -> memref<128x128xf32, #tpu.memory_space<vmem>>
      %dma_start3A_72 = arith.constant 0 : i32
      %dma_start3A_73 = tpu.memref_slice %arg7[%add3A_66, %dma_start3A_72] : memref<40x128xi32, #tpu.memory_space<vmem>> -> memref<1x128xi32, #tpu.memory_space<vmem>>
      %dma_start3A_74 = tpu.memref_squeeze %dma_start3A_73 : memref<1x128xi32, #tpu.memory_space<vmem>> -> memref<128xi32, #tpu.memory_space<vmem>>
      %dma_start3A_75 = arith.constant 0 : i32
      %dma_start3A_76 = arith.constant 0 : i32
      %dma_start3A_77 = tpu.memref_slice %arg2[%dma_start3A_75, %dma_start3A_76] : memref<10000x128xf32, #tpu.memory_space<hbm>> -> memref<10000x128xf32, #tpu.memory_space<hbm>>
      tpu.enqueue_indirect_dma source(%dma_start3A_77 : memref<10000x128xf32, #tpu.memory_space<hbm>>) target(%dma_start3A_71 : memref<128x128xf32, #tpu.memory_space<vmem>>) offsets(%dma_start3A_74 : memref<128xi32, #tpu.memory_space<vmem>>) semaphore(%arg11 : memref<!tpu.dma_semaphore, #tpu.memory_space<semaphore_mem>>)
      %run_scoped3A = arith.constant 0 : i32
      "tpu.region"() ({
        %run_scoped3A_96 = tpu.sem_alloc : memref<!tpu.dma_semaphore, #tpu.memory_space<semaphore_mem>>
        %dma_start3A_97 = arith.constant 0 : i32
        %dma_start3A_98 = arith.constant 0 : i32
        %dma_start3A_99 = tpu.memref_slice %arg9[%run_scoped3A, %dma_start3A_97, %dma_start3A_98] : memref<2x128x128xf32, #tpu.memory_space<vmem>> -> memref<1x128x128xf32, #tpu.memory_space<vmem>>
        %dma_start3A_100 = tpu.memref_squeeze %dma_start3A_99 : memref<1x128x128xf32, #tpu.memory_space<vmem>> -> memref<128x128xf32, #tpu.memory_space<vmem>>
        %dma_start3A_101 = arith.constant 0 : i32
        %dma_start3A_102 = tpu.memref_slice %arg8[%mul3A_54, %dma_start3A_101] : memref<40x128xi32, #tpu.memory_space<vmem>> -> memref<1x128xi32, #tpu.memory_space<vmem>>
        %dma_start3A_103 = tpu.memref_squeeze %dma_start3A_102 : memref<1x128xi32, #tpu.memory_space<vmem>> -> memref<128xi32, #tpu.memory_space<vmem>>
        %dma_start3A_104 = arith.constant 0 : i32
        %dma_start3A_105 = arith.constant 0 : i32
        %dma_start3A_106 = tpu.memref_slice %arg10[%dma_start3A_104, %dma_start3A_105] : memref<10240x128xf32, #tpu.memory_space<vmem_shared>> -> memref<10240x128xf32, #tpu.memory_space<vmem_shared>>
        tpu.enqueue_indirect_dma source(%dma_start3A_100 : memref<128x128xf32, #tpu.memory_space<vmem>>) target(%dma_start3A_106 : memref<10240x128xf32, #tpu.memory_space<vmem_shared>>) offsets(%dma_start3A_103 : memref<128xi32, #tpu.memory_space<vmem>>) semaphore(%run_scoped3A_96 : memref<!tpu.dma_semaphore, #tpu.memory_space<semaphore_mem>>) {add = true}
        %dma_wait3A_107 = arith.constant 0 : i32
        %dma_wait3A_108 = arith.constant 0 : i32
        %dma_wait3A_109 = tpu.memref_slice %arg9[%run_scoped3A, %dma_wait3A_107, %dma_wait3A_108] : memref<2x128x128xf32, #tpu.memory_space<vmem>> -> memref<1x128x128xf32, #tpu.memory_space<vmem>>
        %dma_wait3A_110 = tpu.memref_squeeze %dma_wait3A_109 : memref<1x128x128xf32, #tpu.memory_space<vmem>> -> memref<128x128xf32, #tpu.memory_space<vmem>>
        %dma_wait3A_111 = arith.constant 0 : i32
        %dma_wait3A_112 = tpu.memref_slice %arg8[%mul3A_54, %dma_wait3A_111] : memref<40x128xi32, #tpu.memory_space<vmem>> -> memref<1x128xi32, #tpu.memory_space<vmem>>
        %dma_wait3A_113 = tpu.memref_squeeze %dma_wait3A_112 : memref<1x128xi32, #tpu.memory_space<vmem>> -> memref<128xi32, #tpu.memory_space<vmem>>
        %dma_wait3A_114 = arith.constant 0 : i32
        %dma_wait3A_115 = arith.constant 0 : i32
        %dma_wait3A_116 = tpu.memref_slice %arg10[%dma_wait3A_114, %dma_wait3A_115] : memref<10240x128xf32, #tpu.memory_space<vmem_shared>> -> memref<10240x128xf32, #tpu.memory_space<vmem_shared>>
        tpu.wait_indirect_dma semaphore(%run_scoped3A_96 : memref<!tpu.dma_semaphore, #tpu.memory_space<semaphore_mem>>) src(%dma_wait3A_110 : memref<128x128xf32, #tpu.memory_space<vmem>>) dst(%dma_wait3A_116 : memref<10240x128xf32, #tpu.memory_space<vmem_shared>>)
        tpu.yield
      }) : () -> ()
      %add3A_78 = arith.constant 1 : i32
      %add3A_79 = arith.addi %mul3A_54, %add3A_78 : i32
      %dma_wait3A_80 = arith.constant 1 : i32
      %dma_wait3A_81 = arith.constant 0 : i32
      %dma_wait3A_82 = arith.constant 0 : i32
      %dma_wait3A_83 = tpu.memref_slice %arg9[%dma_wait3A_80, %dma_wait3A_81, %dma_wait3A_82] : memref<2x128x128xf32, #tpu.memory_space<vmem>> -> memref<1x128x128xf32, #tpu.memory_space<vmem>>
      %dma_wait3A_84 = tpu.memref_squeeze %dma_wait3A_83 : memref<1x128x128xf32, #tpu.memory_space<vmem>> -> memref<128x128xf32, #tpu.memory_space<vmem>>
      %dma_wait3A_85 = arith.constant 0 : i32
      %dma_wait3A_86 = tpu.memref_slice %arg7[%add3A_79, %dma_wait3A_85] : memref<40x128xi32, #tpu.memory_space<vmem>> -> memref<1x128xi32, #tpu.memory_space<vmem>>
      %dma_wait3A_87 = tpu.memref_squeeze %dma_wait3A_86 : memref<1x128xi32, #tpu.memory_space<vmem>> -> memref<128xi32, #tpu.memory_space<vmem>>
      %dma_wait3A_88 = arith.constant 0 : i32
      %dma_wait3A_89 = arith.constant 0 : i32
      %dma_wait3A_90 = tpu.memref_slice %arg2[%dma_wait3A_88, %dma_wait3A_89] : memref<10000x128xf32, #tpu.memory_space<hbm>> -> memref<10000x128xf32, #tpu.memory_space<hbm>>
      tpu.wait_indirect_dma semaphore(%arg11 : memref<!tpu.dma_semaphore, #tpu.memory_space<semaphore_mem>>) src(%dma_wait3A_90 : memref<10000x128xf32, #tpu.memory_space<hbm>>) dst(%dma_wait3A_84 : memref<128x128xf32, #tpu.memory_space<vmem>>)
      %lt3A = arith.constant 19 : i32
      %lt3A_91 = arith.cmpi slt, %scan3A_52, %lt3A : i32
      %convert_element_type3A = arith.extui %lt3A_91 : i1 to i32
      %cond3A = arith.constant 0 : i32
      %cond3A_92 = arith.cmpi ne, %convert_element_type3A, %cond3A : i32
      scf.if %cond3A_92 {
        %add3A_96 = arith.constant 2 : i32
        %add3A_97 = arith.addi %mul3A_54, %add3A_96 : i32
        %dma_start3A_98 = arith.constant 0 : i32
        %dma_start3A_99 = arith.constant 0 : i32
        %dma_start3A_100 = arith.constant 0 : i32
        %dma_start3A_101 = tpu.memref_slice %arg9[%dma_start3A_98, %dma_start3A_99, %dma_start3A_100] : memref<2x128x128xf32, #tpu.memory_space<vmem>> -> memref<1x128x128xf32, #tpu.memory_space<vmem>>
        %dma_start3A_102 = tpu.memref_squeeze %dma_start3A_101 : memref<1x128x128xf32, #tpu.memory_space<vmem>> -> memref<128x128xf32, #tpu.memory_space<vmem>>
        %dma_start3A_103 = arith.constant 0 : i32
        %dma_start3A_104 = tpu.memref_slice %arg7[%add3A_97, %dma_start3A_103] : memref<40x128xi32, #tpu.memory_space<vmem>> -> memref<1x128xi32, #tpu.memory_space<vmem>>
        %dma_start3A_105 = tpu.memref_squeeze %dma_start3A_104 : memref<1x128xi32, #tpu.memory_space<vmem>> -> memref<128xi32, #tpu.memory_space<vmem>>
        %dma_start3A_106 = arith.constant 0 : i32
        %dma_start3A_107 = arith.constant 0 : i32
        %dma_start3A_108 = tpu.memref_slice %arg2[%dma_start3A_106, %dma_start3A_107] : memref<10000x128xf32, #tpu.memory_space<hbm>> -> memref<10000x128xf32, #tpu.memory_space<hbm>>
        tpu.enqueue_indirect_dma source(%dma_start3A_108 : memref<10000x128xf32, #tpu.memory_space<hbm>>) target(%dma_start3A_102 : memref<128x128xf32, #tpu.memory_space<vmem>>) offsets(%dma_start3A_105 : memref<128xi32, #tpu.memory_space<vmem>>) semaphore(%arg11 : memref<!tpu.dma_semaphore, #tpu.memory_space<semaphore_mem>>)
      } else {
      }
      %add3A_93 = arith.constant 1 : i32
      %add3A_94 = arith.addi %mul3A_54, %add3A_93 : i32
      %run_scoped3A_95 = arith.constant 1 : i32
      "tpu.region"() ({
        %run_scoped3A_96 = tpu.sem_alloc : memref<!tpu.dma_semaphore, #tpu.memory_space<semaphore_mem>>
        %dma_start3A_97 = arith.constant 0 : i32
        %dma_start3A_98 = arith.constant 0 : i32
        %dma_start3A_99 = tpu.memref_slice %arg9[%run_scoped3A_95, %dma_start3A_97, %dma_start3A_98] : memref<2x128x128xf32, #tpu.memory_space<vmem>> -> memref<1x128x128xf32, #tpu.memory_space<vmem>>
        %dma_start3A_100 = tpu.memref_squeeze %dma_start3A_99 : memref<1x128x128xf32, #tpu.memory_space<vmem>> -> memref<128x128xf32, #tpu.memory_space<vmem>>
        %dma_start3A_101 = arith.constant 0 : i32
        %dma_start3A_102 = tpu.memref_slice %arg8[%add3A_94, %dma_start3A_101] : memref<40x128xi32, #tpu.memory_space<vmem>> -> memref<1x128xi32, #tpu.memory_space<vmem>>
        %dma_start3A_103 = tpu.memref_squeeze %dma_start3A_102 : memref<1x128xi32, #tpu.memory_space<vmem>> -> memref<128xi32, #tpu.memory_space<vmem>>
        %dma_start3A_104 = arith.constant 0 : i32
        %dma_start3A_105 = arith.constant 0 : i32
        %dma_start3A_106 = tpu.memref_slice %arg10[%dma_start3A_104, %dma_start3A_105] : memref<10240x128xf32, #tpu.memory_space<vmem_shared>> -> memref<10240x128xf32, #tpu.memory_space<vmem_shared>>
        tpu.enqueue_indirect_dma source(%dma_start3A_100 : memref<128x128xf32, #tpu.memory_space<vmem>>) target(%dma_start3A_106 : memref<10240x128xf32, #tpu.memory_space<vmem_shared>>) offsets(%dma_start3A_103 : memref<128xi32, #tpu.memory_space<vmem>>) semaphore(%run_scoped3A_96 : memref<!tpu.dma_semaphore, #tpu.memory_space<semaphore_mem>>) {add = true}
        %dma_wait3A_107 = arith.constant 0 : i32
        %dma_wait3A_108 = arith.constant 0 : i32
        %dma_wait3A_109 = tpu.memref_slice %arg9[%run_scoped3A_95, %dma_wait3A_107, %dma_wait3A_108] : memref<2x128x128xf32, #tpu.memory_space<vmem>> -> memref<1x128x128xf32, #tpu.memory_space<vmem>>
        %dma_wait3A_110 = tpu.memref_squeeze %dma_wait3A_109 : memref<1x128x128xf32, #tpu.memory_space<vmem>> -> memref<128x128xf32, #tpu.memory_space<vmem>>
        %dma_wait3A_111 = arith.constant 0 : i32
        %dma_wait3A_112 = tpu.memref_slice %arg8[%add3A_94, %dma_wait3A_111] : memref<40x128xi32, #tpu.memory_space<vmem>> -> memref<1x128xi32, #tpu.memory_space<vmem>>
        %dma_wait3A_113 = tpu.memref_squeeze %dma_wait3A_112 : memref<1x128xi32, #tpu.memory_space<vmem>> -> memref<128xi32, #tpu.memory_space<vmem>>
        %dma_wait3A_114 = arith.constant 0 : i32
        %dma_wait3A_115 = arith.constant 0 : i32
        %dma_wait3A_116 = tpu.memref_slice %arg10[%dma_wait3A_114, %dma_wait3A_115] : memref<10240x128xf32, #tpu.memory_space<vmem_shared>> -> memref<10240x128xf32, #tpu.memory_space<vmem_shared>>
        tpu.wait_indirect_dma semaphore(%run_scoped3A_96 : memref<!tpu.dma_semaphore, #tpu.memory_space<semaphore_mem>>) src(%dma_wait3A_110 : memref<128x128xf32, #tpu.memory_space<vmem>>) dst(%dma_wait3A_116 : memref<10240x128xf32, #tpu.memory_space<vmem_shared>>)
        tpu.yield
      }) : () -> ()
    }
    %scan3A_24 = arith.constant 20 : i32
    %add3A_25 = arith.constant 40 : i32
    %add3A_26 = arith.addi %add3A, %add3A_25 : i32
    "tpu.region"() ({
      %run_scoped3A = tpu.sem_alloc : memref<!tpu.dma_semaphore, #tpu.memory_space<semaphore_mem>>
      %dma_start3A_52 = arith.constant 0 : i32
      %dma_start3A_53 = tpu.memref_slice %arg3[%add3A_26, %dma_start3A_52] : memref<2560x128xi32, #tpu.memory_space<hbm>> -> memref<40x128xi32, #tpu.memory_space<hbm>>
      %dma_start3A_54 = arith.constant 0 : i32
      %dma_start3A_55 = tpu.memref_slice %arg3[%add3A_26, %dma_start3A_54] : memref<2560x128xi32, #tpu.memory_space<hbm>> -> memref<40x128xi32, #tpu.memory_space<hbm>>
      tpu.enqueue_dma source(%dma_start3A_55 : memref<40x128xi32, #tpu.memory_space<hbm>>) target(%arg7 : memref<40x128xi32, #tpu.memory_space<vmem>>) target_semaphore(%run_scoped3A : memref<!tpu.dma_semaphore, #tpu.memory_space<semaphore_mem>>)
      %dma_wait3A = arith.constant 0 : i32
      %dma_wait3A_56 = tpu.memref_slice %arg3[%add3A_26, %dma_wait3A] : memref<2560x128xi32, #tpu.memory_space<hbm>> -> memref<40x128xi32, #tpu.memory_space<hbm>>
      %dma_wait3A_57 = arith.constant 0 : i32
      %dma_wait3A_58 = tpu.memref_slice %arg3[%add3A_26, %dma_wait3A_57] : memref<2560x128xi32, #tpu.memory_space<hbm>> -> memref<40x128xi32, #tpu.memory_space<hbm>>
      tpu.wait_dma2 semaphore(%run_scoped3A : memref<!tpu.dma_semaphore, #tpu.memory_space<semaphore_mem>>) src(%dma_wait3A_58 : memref<40x128xi32, #tpu.memory_space<hbm>>) dst(%arg7 : memref<40x128xi32, #tpu.memory_space<vmem>>)
      tpu.yield
    }) : () -> ()
    %add3A_27 = arith.constant 40 : i32
    %add3A_28 = arith.addi %add3A, %add3A_27 : i32
    "tpu.region"() ({
      %run_scoped3A = tpu.sem_alloc : memref<!tpu.dma_semaphore, #tpu.memory_space<semaphore_mem>>
      %dma_start3A_52 = arith.constant 0 : i32
      %dma_start3A_53 = tpu.memref_slice %arg4[%add3A_28, %dma_start3A_52] : memref<2560x128xi32, #tpu.memory_space<hbm>> -> memref<40x128xi32, #tpu.memory_space<hbm>>
      %dma_start3A_54 = arith.constant 0 : i32
      %dma_start3A_55 = tpu.memref_slice %arg4[%add3A_28, %dma_start3A_54] : memref<2560x128xi32, #tpu.memory_space<hbm>> -> memref<40x128xi32, #tpu.memory_space<hbm>>
      tpu.enqueue_dma source(%dma_start3A_55 : memref<40x128xi32, #tpu.memory_space<hbm>>) target(%arg8 : memref<40x128xi32, #tpu.memory_space<vmem>>) target_semaphore(%run_scoped3A : memref<!tpu.dma_semaphore, #tpu.memory_space<semaphore_mem>>)
      %dma_wait3A = arith.constant 0 : i32
      %dma_wait3A_56 = tpu.memref_slice %arg4[%add3A_28, %dma_wait3A] : memref<2560x128xi32, #tpu.memory_space<hbm>> -> memref<40x128xi32, #tpu.memory_space<hbm>>
      %dma_wait3A_57 = arith.constant 0 : i32
      %dma_wait3A_58 = tpu.memref_slice %arg4[%add3A_28, %dma_wait3A_57] : memref<2560x128xi32, #tpu.memory_space<hbm>> -> memref<40x128xi32, #tpu.memory_space<hbm>>
      tpu.wait_dma2 semaphore(%run_scoped3A : memref<!tpu.dma_semaphore, #tpu.memory_space<semaphore_mem>>) src(%dma_wait3A_58 : memref<40x128xi32, #tpu.memory_space<hbm>>) dst(%arg8 : memref<40x128xi32, #tpu.memory_space<vmem>>)
      tpu.yield
    }) : () -> ()
    %dma_start3A_29 = arith.constant 0 : i32
    %dma_start3A_30 = arith.constant 0 : i32
    %dma_start3A_31 = arith.constant 0 : i32
    %dma_start3A_32 = arith.constant 0 : i32
    %dma_start3A_33 = tpu.memref_slice %arg9[%dma_start3A_30, %dma_start3A_31, %dma_start3A_32] : memref<2x128x128xf32, #tpu.memory_space<vmem>> -> memref<1x128x128xf32, #tpu.memory_space<vmem>>
    %dma_start3A_34 = tpu.memref_squeeze %dma_start3A_33 : memref<1x128x128xf32, #tpu.memory_space<vmem>> -> memref<128x128xf32, #tpu.memory_space<vmem>>
    %dma_start3A_35 = arith.constant 0 : i32
    %dma_start3A_36 = tpu.memref_slice %arg7[%dma_start3A_29, %dma_start3A_35] : memref<40x128xi32, #tpu.memory_space<vmem>> -> memref<1x128xi32, #tpu.memory_space<vmem>>
    %dma_start3A_37 = tpu.memref_squeeze %dma_start3A_36 : memref<1x128xi32, #tpu.memory_space<vmem>> -> memref<128xi32, #tpu.memory_space<vmem>>
    %dma_start3A_38 = arith.constant 0 : i32
    %dma_start3A_39 = arith.constant 0 : i32
    %dma_start3A_40 = tpu.memref_slice %arg2[%dma_start3A_38, %dma_start3A_39] : memref<10000x128xf32, #tpu.memory_space<hbm>> -> memref<10000x128xf32, #tpu.memory_space<hbm>>
    tpu.enqueue_indirect_dma source(%dma_start3A_40 : memref<10000x128xf32, #tpu.memory_space<hbm>>) target(%dma_start3A_34 : memref<128x128xf32, #tpu.memory_space<vmem>>) offsets(%dma_start3A_37 : memref<128xi32, #tpu.memory_space<vmem>>) semaphore(%arg11 : memref<!tpu.dma_semaphore, #tpu.memory_space<semaphore_mem>>)
    %scan3A_41 = arith.constant 0 : i32
    %scan3A_42 = arith.constant 0 : i32
    %scan3A_43 = arith.constant 20 : i32
    %scan3A_44 = arith.addi %scan3A_42, %scan3A_43 : i32
    %scan3A_45 = arith.constant 1 : i32
    scf.for %scan3A_52 = %scan3A_42 to %scan3A_44 step %scan3A_45  : i32 {
      %mul3A_53 = arith.constant 2 : i32
      %mul3A_54 = arith.muli %mul3A_53, %scan3A_52 : i32
      %dma_wait3A = arith.constant 0 : i32
      %dma_wait3A_55 = arith.constant 0 : i32
      %dma_wait3A_56 = arith.constant 0 : i32
      %dma_wait3A_57 = tpu.memref_slice %arg9[%dma_wait3A, %dma_wait3A_55, %dma_wait3A_56] : memref<2x128x128xf32, #tpu.memory_space<vmem>> -> memref<1x128x128xf32, #tpu.memory_space<vmem>>
      %dma_wait3A_58 = tpu.memref_squeeze %dma_wait3A_57 : memref<1x128x128xf32, #tpu.memory_space<vmem>> -> memref<128x128xf32, #tpu.memory_space<vmem>>
      %dma_wait3A_59 = arith.constant 0 : i32
      %dma_wait3A_60 = tpu.memref_slice %arg7[%mul3A_54, %dma_wait3A_59] : memref<40x128xi32, #tpu.memory_space<vmem>> -> memref<1x128xi32, #tpu.memory_space<vmem>>
      %dma_wait3A_61 = tpu.memref_squeeze %dma_wait3A_60 : memref<1x128xi32, #tpu.memory_space<vmem>> -> memref<128xi32, #tpu.memory_space<vmem>>
      %dma_wait3A_62 = arith.constant 0 : i32
      %dma_wait3A_63 = arith.constant 0 : i32
      %dma_wait3A_64 = tpu.memref_slice %arg2[%dma_wait3A_62, %dma_wait3A_63] : memref<10000x128xf32, #tpu.memory_space<hbm>> -> memref<10000x128xf32, #tpu.memory_space<hbm>>
      tpu.wait_indirect_dma semaphore(%arg11 : memref<!tpu.dma_semaphore, #tpu.memory_space<semaphore_mem>>) src(%dma_wait3A_64 : memref<10000x128xf32, #tpu.memory_space<hbm>>) dst(%dma_wait3A_58 : memref<128x128xf32, #tpu.memory_space<vmem>>)
      %add3A_65 = arith.constant 1 : i32
      %add3A_66 = arith.addi %mul3A_54, %add3A_65 : i32
      %dma_start3A_67 = arith.constant 1 : i32
      %dma_start3A_68 = arith.constant 0 : i32
      %dma_start3A_69 = arith.constant 0 : i32
      %dma_start3A_70 = tpu.memref_slice %arg9[%dma_start3A_67, %dma_start3A_68, %dma_start3A_69] : memref<2x128x128xf32, #tpu.memory_space<vmem>> -> memref<1x128x128xf32, #tpu.memory_space<vmem>>
      %dma_start3A_71 = tpu.memref_squeeze %dma_start3A_70 : memref<1x128x128xf32, #tpu.memory_space<vmem>> -> memref<128x128xf32, #tpu.memory_space<vmem>>
      %dma_start3A_72 = arith.constant 0 : i32
      %dma_start3A_73 = tpu.memref_slice %arg7[%add3A_66, %dma_start3A_72] : memref<40x128xi32, #tpu.memory_space<vmem>> -> memref<1x128xi32, #tpu.memory_space<vmem>>
      %dma_start3A_74 = tpu.memref_squeeze %dma_start3A_73 : memref<1x128xi32, #tpu.memory_space<vmem>> -> memref<128xi32, #tpu.memory_space<vmem>>
      %dma_start3A_75 = arith.constant 0 : i32
      %dma_start3A_76 = arith.constant 0 : i32
      %dma_start3A_77 = tpu.memref_slice %arg2[%dma_start3A_75, %dma_start3A_76] : memref<10000x128xf32, #tpu.memory_space<hbm>> -> memref<10000x128xf32, #tpu.memory_space<hbm>>
      tpu.enqueue_indirect_dma source(%dma_start3A_77 : memref<10000x128xf32, #tpu.memory_space<hbm>>) target(%dma_start3A_71 : memref<128x128xf32, #tpu.memory_space<vmem>>) offsets(%dma_start3A_74 : memref<128xi32, #tpu.memory_space<vmem>>) semaphore(%arg11 : memref<!tpu.dma_semaphore, #tpu.memory_space<semaphore_mem>>)
      %run_scoped3A = arith.constant 0 : i32
      "tpu.region"() ({
        %run_scoped3A_96 = tpu.sem_alloc : memref<!tpu.dma_semaphore, #tpu.memory_space<semaphore_mem>>
        %dma_start3A_97 = arith.constant 0 : i32
        %dma_start3A_98 = arith.constant 0 : i32
        %dma_start3A_99 = tpu.memref_slice %arg9[%run_scoped3A, %dma_start3A_97, %dma_start3A_98] : memref<2x128x128xf32, #tpu.memory_space<vmem>> -> memref<1x128x128xf32, #tpu.memory_space<vmem>>
        %dma_start3A_100 = tpu.memref_squeeze %dma_start3A_99 : memref<1x128x128xf32, #tpu.memory_space<vmem>> -> memref<128x128xf32, #tpu.memory_space<vmem>>
        %dma_start3A_101 = arith.constant 0 : i32
        %dma_start3A_102 = tpu.memref_slice %arg8[%mul3A_54, %dma_start3A_101] : memref<40x128xi32, #tpu.memory_space<vmem>> -> memref<1x128xi32, #tpu.memory_space<vmem>>
        %dma_start3A_103 = tpu.memref_squeeze %dma_start3A_102 : memref<1x128xi32, #tpu.memory_space<vmem>> -> memref<128xi32, #tpu.memory_space<vmem>>
        %dma_start3A_104 = arith.constant 0 : i32
        %dma_start3A_105 = arith.constant 0 : i32
        %dma_start3A_106 = tpu.memref_slice %arg10[%dma_start3A_104, %dma_start3A_105] : memref<10240x128xf32, #tpu.memory_space<vmem_shared>> -> memref<10240x128xf32, #tpu.memory_space<vmem_shared>>
        tpu.enqueue_indirect_dma source(%dma_start3A_100 : memref<128x128xf32, #tpu.memory_space<vmem>>) target(%dma_start3A_106 : memref<10240x128xf32, #tpu.memory_space<vmem_shared>>) offsets(%dma_start3A_103 : memref<128xi32, #tpu.memory_space<vmem>>) semaphore(%run_scoped3A_96 : memref<!tpu.dma_semaphore, #tpu.memory_space<semaphore_mem>>) {add = true}
        %dma_wait3A_107 = arith.constant 0 : i32
        %dma_wait3A_108 = arith.constant 0 : i32
        %dma_wait3A_109 = tpu.memref_slice %arg9[%run_scoped3A, %dma_wait3A_107, %dma_wait3A_108] : memref<2x128x128xf32, #tpu.memory_space<vmem>> -> memref<1x128x128xf32, #tpu.memory_space<vmem>>
        %dma_wait3A_110 = tpu.memref_squeeze %dma_wait3A_109 : memref<1x128x128xf32, #tpu.memory_space<vmem>> -> memref<128x128xf32, #tpu.memory_space<vmem>>
        %dma_wait3A_111 = arith.constant 0 : i32
        %dma_wait3A_112 = tpu.memref_slice %arg8[%mul3A_54, %dma_wait3A_111] : memref<40x128xi32, #tpu.memory_space<vmem>> -> memref<1x128xi32, #tpu.memory_space<vmem>>
        %dma_wait3A_113 = tpu.memref_squeeze %dma_wait3A_112 : memref<1x128xi32, #tpu.memory_space<vmem>> -> memref<128xi32, #tpu.memory_space<vmem>>
        %dma_wait3A_114 = arith.constant 0 : i32
        %dma_wait3A_115 = arith.constant 0 : i32
        %dma_wait3A_116 = tpu.memref_slice %arg10[%dma_wait3A_114, %dma_wait3A_115] : memref<10240x128xf32, #tpu.memory_space<vmem_shared>> -> memref<10240x128xf32, #tpu.memory_space<vmem_shared>>
        tpu.wait_indirect_dma semaphore(%run_scoped3A_96 : memref<!tpu.dma_semaphore, #tpu.memory_space<semaphore_mem>>) src(%dma_wait3A_110 : memref<128x128xf32, #tpu.memory_space<vmem>>) dst(%dma_wait3A_116 : memref<10240x128xf32, #tpu.memory_space<vmem_shared>>)
        tpu.yield
      }) : () -> ()
      %add3A_78 = arith.constant 1 : i32
      %add3A_79 = arith.addi %mul3A_54, %add3A_78 : i32
      %dma_wait3A_80 = arith.constant 1 : i32
      %dma_wait3A_81 = arith.constant 0 : i32
      %dma_wait3A_82 = arith.constant 0 : i32
      %dma_wait3A_83 = tpu.memref_slice %arg9[%dma_wait3A_80, %dma_wait3A_81, %dma_wait3A_82] : memref<2x128x128xf32, #tpu.memory_space<vmem>> -> memref<1x128x128xf32, #tpu.memory_space<vmem>>
      %dma_wait3A_84 = tpu.memref_squeeze %dma_wait3A_83 : memref<1x128x128xf32, #tpu.memory_space<vmem>> -> memref<128x128xf32, #tpu.memory_space<vmem>>
      %dma_wait3A_85 = arith.constant 0 : i32
      %dma_wait3A_86 = tpu.memref_slice %arg7[%add3A_79, %dma_wait3A_85] : memref<40x128xi32, #tpu.memory_space<vmem>> -> memref<1x128xi32, #tpu.memory_space<vmem>>
      %dma_wait3A_87 = tpu.memref_squeeze %dma_wait3A_86 : memref<1x128xi32, #tpu.memory_space<vmem>> -> memref<128xi32, #tpu.memory_space<vmem>>
      %dma_wait3A_88 = arith.constant 0 : i32
      %dma_wait3A_89 = arith.constant 0 : i32
      %dma_wait3A_90 = tpu.memref_slice %arg2[%dma_wait3A_88, %dma_wait3A_89] : memref<10000x128xf32, #tpu.memory_space<hbm>> -> memref<10000x128xf32, #tpu.memory_space<hbm>>
      tpu.wait_indirect_dma semaphore(%arg11 : memref<!tpu.dma_semaphore, #tpu.memory_space<semaphore_mem>>) src(%dma_wait3A_90 : memref<10000x128xf32, #tpu.memory_space<hbm>>) dst(%dma_wait3A_84 : memref<128x128xf32, #tpu.memory_space<vmem>>)
      %lt3A = arith.constant 19 : i32
      %lt3A_91 = arith.cmpi slt, %scan3A_52, %lt3A : i32
      %convert_element_type3A = arith.extui %lt3A_91 : i1 to i32
      %cond3A = arith.constant 0 : i32
      %cond3A_92 = arith.cmpi ne, %convert_element_type3A, %cond3A : i32
      scf.if %cond3A_92 {
        %add3A_96 = arith.constant 2 : i32
        %add3A_97 = arith.addi %mul3A_54, %add3A_96 : i32
        %dma_start3A_98 = arith.constant 0 : i32
        %dma_start3A_99 = arith.constant 0 : i32
        %dma_start3A_100 = arith.constant 0 : i32
        %dma_start3A_101 = tpu.memref_slice %arg9[%dma_start3A_98, %dma_start3A_99, %dma_start3A_100] : memref<2x128x128xf32, #tpu.memory_space<vmem>> -> memref<1x128x128xf32, #tpu.memory_space<vmem>>
        %dma_start3A_102 = tpu.memref_squeeze %dma_start3A_101 : memref<1x128x128xf32, #tpu.memory_space<vmem>> -> memref<128x128xf32, #tpu.memory_space<vmem>>
        %dma_start3A_103 = arith.constant 0 : i32
        %dma_start3A_104 = tpu.memref_slice %arg7[%add3A_97, %dma_start3A_103] : memref<40x128xi32, #tpu.memory_space<vmem>> -> memref<1x128xi32, #tpu.memory_space<vmem>>
        %dma_start3A_105 = tpu.memref_squeeze %dma_start3A_104 : memref<1x128xi32, #tpu.memory_space<vmem>> -> memref<128xi32, #tpu.memory_space<vmem>>
        %dma_start3A_106 = arith.constant 0 : i32
        %dma_start3A_107 = arith.constant 0 : i32
        %dma_start3A_108 = tpu.memref_slice %arg2[%dma_start3A_106, %dma_start3A_107] : memref<10000x128xf32, #tpu.memory_space<hbm>> -> memref<10000x128xf32, #tpu.memory_space<hbm>>
        tpu.enqueue_indirect_dma source(%dma_start3A_108 : memref<10000x128xf32, #tpu.memory_space<hbm>>) target(%dma_start3A_102 : memref<128x128xf32, #tpu.memory_space<vmem>>) offsets(%dma_start3A_105 : memref<128xi32, #tpu.memory_space<vmem>>) semaphore(%arg11 : memref<!tpu.dma_semaphore, #tpu.memory_space<semaphore_mem>>)
      } else {
      }
      %add3A_93 = arith.constant 1 : i32
      %add3A_94 = arith.addi %mul3A_54, %add3A_93 : i32
      %run_scoped3A_95 = arith.constant 1 : i32
      "tpu.region"() ({
        %run_scoped3A_96 = tpu.sem_alloc : memref<!tpu.dma_semaphore, #tpu.memory_space<semaphore_mem>>
        %dma_start3A_97 = arith.constant 0 : i32
        %dma_start3A_98 = arith.constant 0 : i32
        %dma_start3A_99 = tpu.memref_slice %arg9[%run_scoped3A_95, %dma_start3A_97, %dma_start3A_98] : memref<2x128x128xf32, #tpu.memory_space<vmem>> -> memref<1x128x128xf32, #tpu.memory_space<vmem>>
        %dma_start3A_100 = tpu.memref_squeeze %dma_start3A_99 : memref<1x128x128xf32, #tpu.memory_space<vmem>> -> memref<128x128xf32, #tpu.memory_space<vmem>>
        %dma_start3A_101 = arith.constant 0 : i32
        %dma_start3A_102 = tpu.memref_slice %arg8[%add3A_94, %dma_start3A_101] : memref<40x128xi32, #tpu.memory_space<vmem>> -> memref<1x128xi32, #tpu.memory_space<vmem>>
        %dma_start3A_103 = tpu.memref_squeeze %dma_start3A_102 : memref<1x128xi32, #tpu.memory_space<vmem>> -> memref<128xi32, #tpu.memory_space<vmem>>
        %dma_start3A_104 = arith.constant 0 : i32
        %dma_start3A_105 = arith.constant 0 : i32
        %dma_start3A_106 = tpu.memref_slice %arg10[%dma_start3A_104, %dma_start3A_105] : memref<10240x128xf32, #tpu.memory_space<vmem_shared>> -> memref<10240x128xf32, #tpu.memory_space<vmem_shared>>
        tpu.enqueue_indirect_dma source(%dma_start3A_100 : memref<128x128xf32, #tpu.memory_space<vmem>>) target(%dma_start3A_106 : memref<10240x128xf32, #tpu.memory_space<vmem_shared>>) offsets(%dma_start3A_103 : memref<128xi32, #tpu.memory_space<vmem>>) semaphore(%run_scoped3A_96 : memref<!tpu.dma_semaphore, #tpu.memory_space<semaphore_mem>>) {add = true}
        %dma_wait3A_107 = arith.constant 0 : i32
        %dma_wait3A_108 = arith.constant 0 : i32
        %dma_wait3A_109 = tpu.memref_slice %arg9[%run_scoped3A_95, %dma_wait3A_107, %dma_wait3A_108] : memref<2x128x128xf32, #tpu.memory_space<vmem>> -> memref<1x128x128xf32, #tpu.memory_space<vmem>>
        %dma_wait3A_110 = tpu.memref_squeeze %dma_wait3A_109 : memref<1x128x128xf32, #tpu.memory_space<vmem>> -> memref<128x128xf32, #tpu.memory_space<vmem>>
        %dma_wait3A_111 = arith.constant 0 : i32
        %dma_wait3A_112 = tpu.memref_slice %arg8[%add3A_94, %dma_wait3A_111] : memref<40x128xi32, #tpu.memory_space<vmem>> -> memref<1x128xi32, #tpu.memory_space<vmem>>
        %dma_wait3A_113 = tpu.memref_squeeze %dma_wait3A_112 : memref<1x128xi32, #tpu.memory_space<vmem>> -> memref<128xi32, #tpu.memory_space<vmem>>
        %dma_wait3A_114 = arith.constant 0 : i32
        %dma_wait3A_115 = arith.constant 0 : i32
        %dma_wait3A_116 = tpu.memref_slice %arg10[%dma_wait3A_114, %dma_wait3A_115] : memref<10240x128xf32, #tpu.memory_space<vmem_shared>> -> memref<10240x128xf32, #tpu.memory_space<vmem_shared>>
        tpu.wait_indirect_dma semaphore(%run_scoped3A_96 : memref<!tpu.dma_semaphore, #tpu.memory_space<semaphore_mem>>) src(%dma_wait3A_110 : memref<128x128xf32, #tpu.memory_space<vmem>>) dst(%dma_wait3A_116 : memref<10240x128xf32, #tpu.memory_space<vmem_shared>>)
        tpu.yield
      }) : () -> ()
    }
    %scan3A_46 = arith.constant 20 : i32
    %barrier3A_47 = arith.constant 0 : index
    tpu.barrier barrier_id(%barrier3A_47)
    %mul3A_48 = arith.constant 640 : i32
    %mul3A_49 = arith.muli %arg1, %mul3A_48 : i32
    %mul3A_50 = arith.constant 640 : i32
    %mul3A_51 = arith.muli %arg1, %mul3A_50 : i32
    "tpu.region"() ({
      %run_scoped3A = tpu.sem_alloc : memref<!tpu.dma_semaphore, #tpu.memory_space<semaphore_mem>>
      %dma_start3A_52 = arith.constant 0 : i32
      %dma_start3A_53 = tpu.memref_slice %arg6[%arg0, %mul3A_51, %dma_start3A_52] : memref<2x10240x128xf32, #tpu.memory_space<hbm>> -> memref<1x640x128xf32, #tpu.memory_space<hbm>>
      %dma_start3A_54 = tpu.memref_squeeze %dma_start3A_53 : memref<1x640x128xf32, #tpu.memory_space<hbm>> -> memref<640x128xf32, #tpu.memory_space<hbm>>
      %dma_start3A_55 = arith.constant 0 : i32
      %dma_start3A_56 = tpu.memref_slice %arg10[%mul3A_49, %dma_start3A_55] : memref<10240x128xf32, #tpu.memory_space<vmem_shared>> -> memref<640x128xf32, #tpu.memory_space<vmem_shared>>
      tpu.enqueue_dma source(%dma_start3A_56 : memref<640x128xf32, #tpu.memory_space<vmem_shared>>) target(%dma_start3A_54 : memref<640x128xf32, #tpu.memory_space<hbm>>) target_semaphore(%run_scoped3A : memref<!tpu.dma_semaphore, #tpu.memory_space<semaphore_mem>>)
      %dma_wait3A = arith.constant 0 : i32
      %dma_wait3A_57 = tpu.memref_slice %arg6[%arg0, %mul3A_51, %dma_wait3A] : memref<2x10240x128xf32, #tpu.memory_space<hbm>> -> memref<1x640x128xf32, #tpu.memory_space<hbm>>
      %dma_wait3A_58 = tpu.memref_squeeze %dma_wait3A_57 : memref<1x640x128xf32, #tpu.memory_space<hbm>> -> memref<640x128xf32, #tpu.memory_space<hbm>>
      %dma_wait3A_59 = arith.constant 0 : i32
      %dma_wait3A_60 = tpu.memref_slice %arg10[%mul3A_49, %dma_wait3A_59] : memref<10240x128xf32, #tpu.memory_space<vmem_shared>> -> memref<640x128xf32, #tpu.memory_space<vmem_shared>>
      tpu.wait_dma2 semaphore(%run_scoped3A : memref<!tpu.dma_semaphore, #tpu.memory_space<semaphore_mem>>) src(%dma_wait3A_60 : memref<640x128xf32, #tpu.memory_space<vmem_shared>>) dst(%dma_wait3A_58 : memref<640x128xf32, #tpu.memory_space<hbm>>)
      tpu.yield
    }) : () -> ()
    return
  }
}

module attributes {stable_mosaic.version = 14 : i64} {
  func.func @_dense1_body(%arg0: i32, %arg1: memref<1000x128xf32, #tpu.memory_space<vmem>>, %arg2: memref<128x128xf32, #tpu.memory_space<vmem>>, %arg3: memref<1x128xf32, #tpu.memory_space<vmem>>, %arg4: memref<128x128xf32, #tpu.memory_space<vmem>>, %arg5: memref<2x1000x16xf32, #tpu.memory_space<vmem>>, %arg6: memref<1000x128xf32, #tpu.memory_space<vmem>>) attributes {dimension_semantics = [#tpu.dimension_semantics<arbitrary>], iteration_bounds = array<i64: 10>, scalar_prefetch = 0 : i64, scratch_operands = 0 : i64, tpu.core_type = #tpu.core_type<tc>, window_params = [{transform_indices = @transform_0, window_bounds = array<i64: 1000, 128>}, {pipeline_mode = #tpu.pipeline_mode<synchronous>, transform_indices = @transform_1, window_bounds = array<i64: 128, 128>}, {pipeline_mode = #tpu.pipeline_mode<synchronous>, transform_indices = @transform_2, window_bounds = array<i64: 1, 128>}, {pipeline_mode = #tpu.pipeline_mode<synchronous>, transform_indices = @transform_3, window_bounds = array<i64: 128, 128>}, {transform_indices = @transform_4, window_bounds = array<i64: 2, 1000, 16>}, {transform_indices = @transform_5, window_bounds = array<i64: 1000, 128>}]} {
    %get3A = arith.constant 0 : index
    %get3A_0 = arith.constant 0 : index
    %get3A_1 = vector.load %arg1[%get3A, %get3A_0] : memref<1000x128xf32, #tpu.memory_space<vmem>>, vector<1000x128xf32>
    %get3A_2 = arith.constant 0 : index
    %get3A_3 = arith.constant 0 : index
    %get3A_4 = vector.load %arg2[%get3A_2, %get3A_3] : memref<128x128xf32, #tpu.memory_space<vmem>>, vector<128x128xf32>
    %dot_general3A = arith.constant dense<0.000000e+00> : vector<1000x128xf32>
    %dot_general3A_5 = tpu.matmul %get3A_1, %get3A_4, %dot_general3A {dimension_numbers = #tpu.dot_dimension_numbers<[1], [0], [0], [1], [0, 0, 1, 1], [], []>, transpose_lhs_hint = false} : vector<1000x128xf32>, vector<128x128xf32>, vector<1000x128xf32> -> vector<1000x128xf32>
    %get3A_6 = arith.constant 0 : index
    %get3A_7 = arith.constant 0 : index
    %get3A_8 = vector.load %arg3[%get3A_6, %get3A_7] : memref<1x128xf32, #tpu.memory_space<vmem>>, vector<1x128xf32>
    %add3A = vector.broadcast %get3A_8 : vector<1x128xf32> to vector<1000x128xf32>
    %add3A_9 = arith.addf %dot_general3A_5, %add3A : vector<1000x128xf32>
    %gt3A = arith.constant 0.000000e+00 : f32
    %gt3A_10 = vector.broadcast %gt3A : f32 to vector<1000x128xf32>
    %gt3A_11 = arith.cmpf ogt, %add3A_9, %gt3A_10 : vector<1000x128xf32>
    %mul3A = arith.constant 0.00999999977 : f32
    %mul3A_12 = vector.broadcast %mul3A : f32 to vector<1000x128xf32>
    %mul3A_13 = arith.mulf %mul3A_12, %add3A_9 : vector<1000x128xf32>
    %select_n3A = arith.select %gt3A_11, %add3A_9, %mul3A_13 : vector<1000x128xi1>, vector<1000x128xf32>
    %get3A_14 = arith.constant 0 : index
    %get3A_15 = arith.constant 0 : index
    %get3A_16 = arith.constant 0 : index
    %get3A_17 = vector.load %arg5[%get3A_14, %get3A_15, %get3A_16] : memref<2x1000x16xf32, #tpu.memory_space<vmem>>, vector<2x1000x16xf32>
    %slice3A = vector.extract_strided_slice %get3A_17 {offsets = [0, 0, 0], sizes = [1, 1000, 16], strides = [1, 1, 1]} : vector<2x1000x16xf32> to vector<1x1000x16xf32>
    %squeeze3A = vector.shape_cast %slice3A : vector<1x1000x16xf32> to vector<1000x16xf32>
    %slice3A_18 = vector.extract_strided_slice %get3A_17 {offsets = [1, 0, 0], sizes = [1, 1000, 16], strides = [1, 1, 1]} : vector<2x1000x16xf32> to vector<1x1000x16xf32>
    %squeeze3A_19 = vector.shape_cast %slice3A_18 : vector<1x1000x16xf32> to vector<1000x16xf32>
    %add3A_20 = arith.addf %squeeze3A, %squeeze3A_19 : vector<1000x16xf32>
    %add3A_21 = arith.constant 1.000000e+00 : f32
    %add3A_22 = vector.broadcast %add3A_21 : f32 to vector<1000x16xf32>
    %add3A_23 = arith.addf %add3A_20, %add3A_22 : vector<1000x16xf32>
    %slice3A_24 = vector.extract_strided_slice %add3A_23 {offsets = [0, 0], sizes = [1000, 1], strides = [1, 1]} : vector<1000x16xf32> to vector<1000x1xf32>
    %rsqrt3A = math.rsqrt %slice3A_24 : vector<1000x1xf32>
    %get3A_25 = arith.constant 0 : index
    %get3A_26 = arith.constant 0 : index
    %get3A_27 = vector.load %arg4[%get3A_25, %get3A_26] : memref<128x128xf32, #tpu.memory_space<vmem>>, vector<128x128xf32>
    %dot_general3A_28 = arith.constant dense<0.000000e+00> : vector<1000x128xf32>
    %dot_general3A_29 = tpu.matmul %select_n3A, %get3A_27, %dot_general3A_28 {dimension_numbers = #tpu.dot_dimension_numbers<[1], [0], [0], [1], [0, 0, 1, 1], [], []>, transpose_lhs_hint = false} : vector<1000x128xf32>, vector<128x128xf32>, vector<1000x128xf32> -> vector<1000x128xf32>
    %mul3A_30 = vector.broadcast %rsqrt3A : vector<1000x1xf32> to vector<1000x128xf32>
    %mul3A_31 = arith.mulf %dot_general3A_29, %mul3A_30 : vector<1000x128xf32>
    %swap3A = arith.constant 0 : index
    %swap3A_32 = arith.constant 0 : index
    %swap3A_33 = vector.load %arg6[%swap3A, %swap3A_32] : memref<1000x128xf32, #tpu.memory_space<vmem>>, vector<1000x128xf32>
    tpu.vector_store %arg6[%swap3A, %swap3A_32], %mul3A_31 {strides = array<i32>} : memref<1000x128xf32, #tpu.memory_space<vmem>>, vector<1000x128xf32>,
    return
  }
  func.func @transform_0(%arg0: i32) -> (i32, i32) {
    %c0_i32 = arith.constant 0 : i32
    %c0_i32_0 = arith.constant 0 : i32
    return %arg0, %c0_i32 : i32, i32
  }
  func.func @transform_1(%arg0: i32) -> (i32, i32) {
    %c0_i32 = arith.constant 0 : i32
    %c0_i32_0 = arith.constant 0 : i32
    %c0_i32_1 = arith.constant 0 : i32
    return %c0_i32, %c0_i32_0 : i32, i32
  }
  func.func @transform_2(%arg0: i32) -> (i32, i32) {
    %c0_i32 = arith.constant 0 : i32
    %c0_i32_0 = arith.constant 0 : i32
    %c0_i32_1 = arith.constant 0 : i32
    return %c0_i32, %c0_i32_0 : i32, i32
  }
  func.func @transform_3(%arg0: i32) -> (i32, i32) {
    %c0_i32 = arith.constant 0 : i32
    %c0_i32_0 = arith.constant 0 : i32
    %c0_i32_1 = arith.constant 0 : i32
    return %c0_i32, %c0_i32_0 : i32, i32
  }
  func.func @transform_4(%arg0: i32) -> (i32, i32, i32) {
    %c0_i32 = arith.constant 0 : i32
    %c0_i32_0 = arith.constant 0 : i32
    %c0_i32_1 = arith.constant 0 : i32
    return %c0_i32, %arg0, %c0_i32_0 : i32, i32, i32
  }
  func.func @transform_5(%arg0: i32) -> (i32, i32) {
    %c0_i32 = arith.constant 0 : i32
    %c0_i32_0 = arith.constant 0 : i32
    return %arg0, %c0_i32 : i32, i32
  }
}

module attributes {stable_mosaic.version = 14 : i64} {
  func.func @_dense2_body(%arg0: i32, %arg1: memref<2x1000x128xf32, #tpu.memory_space<vmem>>, %arg2: memref<1000x128xf32, #tpu.memory_space<vmem>>, %arg3: memref<2x1000x16xf32, #tpu.memory_space<vmem>>, %arg4: memref<128x128xf32, #tpu.memory_space<vmem>>, %arg5: memref<1x128xf32, #tpu.memory_space<vmem>>, %arg6: memref<1x128xf32, #tpu.memory_space<vmem>>, %arg7: memref<128x128xf32, #tpu.memory_space<vmem>>, %arg8: memref<1000x128xf32, #tpu.memory_space<vmem>>) attributes {dimension_semantics = [#tpu.dimension_semantics<arbitrary>], iteration_bounds = array<i64: 10>, scalar_prefetch = 0 : i64, scratch_operands = 0 : i64, tpu.core_type = #tpu.core_type<tc>, window_params = [{transform_indices = @transform_0, window_bounds = array<i64: 2, 1000, 128>}, {transform_indices = @transform_1, window_bounds = array<i64: 1000, 128>}, {transform_indices = @transform_2, window_bounds = array<i64: 2, 1000, 16>}, {pipeline_mode = #tpu.pipeline_mode<synchronous>, transform_indices = @transform_3, window_bounds = array<i64: 128, 128>}, {pipeline_mode = #tpu.pipeline_mode<synchronous>, transform_indices = @transform_4, window_bounds = array<i64: 1, 128>}, {pipeline_mode = #tpu.pipeline_mode<synchronous>, transform_indices = @transform_5, window_bounds = array<i64: 1, 128>}, {pipeline_mode = #tpu.pipeline_mode<synchronous>, transform_indices = @transform_6, window_bounds = array<i64: 128, 128>}, {transform_indices = @transform_7, window_bounds = array<i64: 1000, 128>}]} {
    %get3A = arith.constant 0 : index
    %get3A_0 = arith.constant 0 : index
    %get3A_1 = arith.constant 0 : index
    %get3A_2 = vector.load %arg3[%get3A, %get3A_0, %get3A_1] : memref<2x1000x16xf32, #tpu.memory_space<vmem>>, vector<2x1000x16xf32>
    %slice3A = vector.extract_strided_slice %get3A_2 {offsets = [0, 0, 0], sizes = [1, 1000, 16], strides = [1, 1, 1]} : vector<2x1000x16xf32> to vector<1x1000x16xf32>
    %squeeze3A = vector.shape_cast %slice3A : vector<1x1000x16xf32> to vector<1000x16xf32>
    %slice3A_3 = vector.extract_strided_slice %get3A_2 {offsets = [1, 0, 0], sizes = [1, 1000, 16], strides = [1, 1, 1]} : vector<2x1000x16xf32> to vector<1x1000x16xf32>
    %squeeze3A_4 = vector.shape_cast %slice3A_3 : vector<1x1000x16xf32> to vector<1000x16xf32>
    %add3A = arith.addf %squeeze3A, %squeeze3A_4 : vector<1000x16xf32>
    %add3A_5 = arith.constant 1.000000e+00 : f32
    %add3A_6 = vector.broadcast %add3A_5 : f32 to vector<1000x16xf32>
    %add3A_7 = arith.addf %add3A, %add3A_6 : vector<1000x16xf32>
    %slice3A_8 = vector.extract_strided_slice %add3A_7 {offsets = [0, 0], sizes = [1000, 1], strides = [1, 1]} : vector<1000x16xf32> to vector<1000x1xf32>
    %rsqrt3A = math.rsqrt %slice3A_8 : vector<1000x1xf32>
    %get3A_9 = arith.constant 0 : index
    %get3A_10 = arith.constant 0 : index
    %get3A_11 = arith.constant 0 : index
    %get3A_12 = vector.load %arg1[%get3A_9, %get3A_10, %get3A_11] : memref<2x1000x128xf32, #tpu.memory_space<vmem>>, vector<1x1000x128xf32>
    %get3A_13 = vector.shape_cast %get3A_12 : vector<1x1000x128xf32> to vector<1000x128xf32>
    %get3A_14 = arith.constant 1 : index
    %get3A_15 = arith.constant 0 : index
    %get3A_16 = arith.constant 0 : index
    %get3A_17 = vector.load %arg1[%get3A_14, %get3A_15, %get3A_16] : memref<2x1000x128xf32, #tpu.memory_space<vmem>>, vector<1x1000x128xf32>
    %get3A_18 = vector.shape_cast %get3A_17 : vector<1x1000x128xf32> to vector<1000x128xf32>
    %add3A_19 = arith.addf %get3A_13, %get3A_18 : vector<1000x128xf32>
    %get3A_20 = arith.constant 0 : index
    %get3A_21 = arith.constant 0 : index
    %get3A_22 = vector.load %arg2[%get3A_20, %get3A_21] : memref<1000x128xf32, #tpu.memory_space<vmem>>, vector<1000x128xf32>
    %add3A_23 = arith.addf %add3A_19, %get3A_22 : vector<1000x128xf32>
    %mul3A = vector.broadcast %rsqrt3A : vector<1000x1xf32> to vector<1000x128xf32>
    %mul3A_24 = arith.mulf %add3A_23, %mul3A : vector<1000x128xf32>
    %get3A_25 = arith.constant 0 : index
    %get3A_26 = arith.constant 0 : index
    %get3A_27 = vector.load %arg6[%get3A_25, %get3A_26] : memref<1x128xf32, #tpu.memory_space<vmem>>, vector<1x128xf32>
    %add3A_28 = vector.broadcast %get3A_27 : vector<1x128xf32> to vector<1000x128xf32>
    %add3A_29 = arith.addf %mul3A_24, %add3A_28 : vector<1000x128xf32>
    %get3A_30 = arith.constant 0 : index
    %get3A_31 = arith.constant 0 : index
    %get3A_32 = vector.load %arg4[%get3A_30, %get3A_31] : memref<128x128xf32, #tpu.memory_space<vmem>>, vector<128x128xf32>
    %dot_general3A = arith.constant dense<0.000000e+00> : vector<1000x128xf32>
    %dot_general3A_33 = tpu.matmul %add3A_29, %get3A_32, %dot_general3A {dimension_numbers = #tpu.dot_dimension_numbers<[1], [0], [0], [1], [0, 0, 1, 1], [], []>, transpose_lhs_hint = false} : vector<1000x128xf32>, vector<128x128xf32>, vector<1000x128xf32> -> vector<1000x128xf32>
    %get3A_34 = arith.constant 0 : index
    %get3A_35 = arith.constant 0 : index
    %get3A_36 = vector.load %arg5[%get3A_34, %get3A_35] : memref<1x128xf32, #tpu.memory_space<vmem>>, vector<1x128xf32>
    %add3A_37 = vector.broadcast %get3A_36 : vector<1x128xf32> to vector<1000x128xf32>
    %add3A_38 = arith.addf %dot_general3A_33, %add3A_37 : vector<1000x128xf32>
    %gt3A = arith.constant 0.000000e+00 : f32
    %gt3A_39 = vector.broadcast %gt3A : f32 to vector<1000x128xf32>
    %gt3A_40 = arith.cmpf ogt, %add3A_38, %gt3A_39 : vector<1000x128xf32>
    %mul3A_41 = arith.constant 0.00999999977 : f32
    %mul3A_42 = vector.broadcast %mul3A_41 : f32 to vector<1000x128xf32>
    %mul3A_43 = arith.mulf %mul3A_42, %add3A_38 : vector<1000x128xf32>
    %select_n3A = arith.select %gt3A_40, %add3A_38, %mul3A_43 : vector<1000x128xi1>, vector<1000x128xf32>
    %get3A_44 = arith.constant 0 : index
    %get3A_45 = arith.constant 0 : index
    %get3A_46 = vector.load %arg7[%get3A_44, %get3A_45] : memref<128x128xf32, #tpu.memory_space<vmem>>, vector<128x128xf32>
    %dot_general3A_47 = arith.constant dense<0.000000e+00> : vector<1000x128xf32>
    %dot_general3A_48 = tpu.matmul %select_n3A, %get3A_46, %dot_general3A_47 {dimension_numbers = #tpu.dot_dimension_numbers<[1], [0], [0], [1], [0, 0, 1, 1], [], []>, transpose_lhs_hint = false} : vector<1000x128xf32>, vector<128x128xf32>, vector<1000x128xf32> -> vector<1000x128xf32>
    %mul3A_49 = vector.broadcast %rsqrt3A : vector<1000x1xf32> to vector<1000x128xf32>
    %mul3A_50 = arith.mulf %dot_general3A_48, %mul3A_49 : vector<1000x128xf32>
    %swap3A = arith.constant 0 : index
    %swap3A_51 = arith.constant 0 : index
    %swap3A_52 = vector.load %arg8[%swap3A, %swap3A_51] : memref<1000x128xf32, #tpu.memory_space<vmem>>, vector<1000x128xf32>
    tpu.vector_store %arg8[%swap3A, %swap3A_51], %mul3A_50 {strides = array<i32>} : memref<1000x128xf32, #tpu.memory_space<vmem>>, vector<1000x128xf32>,
    return
  }
  func.func @transform_0(%arg0: i32) -> (i32, i32, i32) {
    %c0_i32 = arith.constant 0 : i32
    %c0_i32_0 = arith.constant 0 : i32
    %c0_i32_1 = arith.constant 0 : i32
    return %c0_i32, %arg0, %c0_i32_0 : i32, i32, i32
  }
  func.func @transform_1(%arg0: i32) -> (i32, i32) {
    %c0_i32 = arith.constant 0 : i32
    %c0_i32_0 = arith.constant 0 : i32
    return %arg0, %c0_i32 : i32, i32
  }
  func.func @transform_2(%arg0: i32) -> (i32, i32, i32) {
    %c0_i32 = arith.constant 0 : i32
    %c0_i32_0 = arith.constant 0 : i32
    %c0_i32_1 = arith.constant 0 : i32
    return %c0_i32, %arg0, %c0_i32_0 : i32, i32, i32
  }
  func.func @transform_3(%arg0: i32) -> (i32, i32) {
    %c0_i32 = arith.constant 0 : i32
    %c0_i32_0 = arith.constant 0 : i32
    %c0_i32_1 = arith.constant 0 : i32
    return %c0_i32, %c0_i32_0 : i32, i32
  }
  func.func @transform_4(%arg0: i32) -> (i32, i32) {
    %c0_i32 = arith.constant 0 : i32
    %c0_i32_0 = arith.constant 0 : i32
    %c0_i32_1 = arith.constant 0 : i32
    return %c0_i32, %c0_i32_0 : i32, i32
  }
  func.func @transform_5(%arg0: i32) -> (i32, i32) {
    %c0_i32 = arith.constant 0 : i32
    %c0_i32_0 = arith.constant 0 : i32
    %c0_i32_1 = arith.constant 0 : i32
    return %c0_i32, %c0_i32_0 : i32, i32
  }
  func.func @transform_6(%arg0: i32) -> (i32, i32) {
    %c0_i32 = arith.constant 0 : i32
    %c0_i32_0 = arith.constant 0 : i32
    %c0_i32_1 = arith.constant 0 : i32
    return %c0_i32, %c0_i32_0 : i32, i32
  }
  func.func @transform_7(%arg0: i32) -> (i32, i32) {
    %c0_i32 = arith.constant 0 : i32
    %c0_i32_0 = arith.constant 0 : i32
    return %arg0, %c0_i32 : i32, i32
  }
}

module attributes {stable_mosaic.version = 14 : i64} {
  func.func @_final_body(%arg0: i32, %arg1: memref<2x1000x128xf32, #tpu.memory_space<vmem>>, %arg2: memref<1000x128xf32, #tpu.memory_space<vmem>>, %arg3: memref<2x1000x16xf32, #tpu.memory_space<vmem>>, %arg4: memref<1x128xf32, #tpu.memory_space<vmem>>, %arg5: memref<1000x40xf32, #tpu.memory_space<vmem>>) attributes {dimension_semantics = [#tpu.dimension_semantics<arbitrary>], iteration_bounds = array<i64: 10>, scalar_prefetch = 0 : i64, scratch_operands = 0 : i64, tpu.core_type = #tpu.core_type<tc>, window_params = [{transform_indices = @transform_0, window_bounds = array<i64: 2, 1000, 128>}, {transform_indices = @transform_1, window_bounds = array<i64: 1000, 128>}, {transform_indices = @transform_2, window_bounds = array<i64: 2, 1000, 16>}, {pipeline_mode = #tpu.pipeline_mode<synchronous>, transform_indices = @transform_3, window_bounds = array<i64: 1, 128>}, {transform_indices = @transform_4, window_bounds = array<i64: 1000, 40>}]} {
    %get3A = arith.constant 0 : index
    %get3A_0 = arith.constant 0 : index
    %get3A_1 = arith.constant 0 : index
    %get3A_2 = vector.load %arg3[%get3A, %get3A_0, %get3A_1] : memref<2x1000x16xf32, #tpu.memory_space<vmem>>, vector<2x1000x16xf32>
    %slice3A = vector.extract_strided_slice %get3A_2 {offsets = [0, 0, 0], sizes = [1, 1000, 16], strides = [1, 1, 1]} : vector<2x1000x16xf32> to vector<1x1000x16xf32>
    %squeeze3A = vector.shape_cast %slice3A : vector<1x1000x16xf32> to vector<1000x16xf32>
    %slice3A_3 = vector.extract_strided_slice %get3A_2 {offsets = [1, 0, 0], sizes = [1, 1000, 16], strides = [1, 1, 1]} : vector<2x1000x16xf32> to vector<1x1000x16xf32>
    %squeeze3A_4 = vector.shape_cast %slice3A_3 : vector<1x1000x16xf32> to vector<1000x16xf32>
    %add3A = arith.addf %squeeze3A, %squeeze3A_4 : vector<1000x16xf32>
    %add3A_5 = arith.constant 1.000000e+00 : f32
    %add3A_6 = vector.broadcast %add3A_5 : f32 to vector<1000x16xf32>
    %add3A_7 = arith.addf %add3A, %add3A_6 : vector<1000x16xf32>
    %slice3A_8 = vector.extract_strided_slice %add3A_7 {offsets = [0, 0], sizes = [1000, 1], strides = [1, 1]} : vector<1000x16xf32> to vector<1000x1xf32>
    %rsqrt3A = math.rsqrt %slice3A_8 : vector<1000x1xf32>
    %get3A_9 = arith.constant 0 : index
    %get3A_10 = arith.constant 0 : index
    %get3A_11 = arith.constant 0 : index
    %get3A_12 = vector.load %arg1[%get3A_9, %get3A_10, %get3A_11] : memref<2x1000x128xf32, #tpu.memory_space<vmem>>, vector<1x1000x128xf32>
    %get3A_13 = vector.shape_cast %get3A_12 : vector<1x1000x128xf32> to vector<1000x128xf32>
    %get3A_14 = arith.constant 1 : index
    %get3A_15 = arith.constant 0 : index
    %get3A_16 = arith.constant 0 : index
    %get3A_17 = vector.load %arg1[%get3A_14, %get3A_15, %get3A_16] : memref<2x1000x128xf32, #tpu.memory_space<vmem>>, vector<1x1000x128xf32>
    %get3A_18 = vector.shape_cast %get3A_17 : vector<1x1000x128xf32> to vector<1000x128xf32>
    %add3A_19 = arith.addf %get3A_13, %get3A_18 : vector<1000x128xf32>
    %get3A_20 = arith.constant 0 : index
    %get3A_21 = arith.constant 0 : index
    %get3A_22 = vector.load %arg2[%get3A_20, %get3A_21] : memref<1000x128xf32, #tpu.memory_space<vmem>>, vector<1000x128xf32>
    %add3A_23 = arith.addf %add3A_19, %get3A_22 : vector<1000x128xf32>
    %mul3A = vector.broadcast %rsqrt3A : vector<1000x1xf32> to vector<1000x128xf32>
    %mul3A_24 = arith.mulf %add3A_23, %mul3A : vector<1000x128xf32>
    %get3A_25 = arith.constant 0 : index
    %get3A_26 = arith.constant 0 : index
    %get3A_27 = vector.load %arg4[%get3A_25, %get3A_26] : memref<1x128xf32, #tpu.memory_space<vmem>>, vector<1x128xf32>
    %add3A_28 = vector.broadcast %get3A_27 : vector<1x128xf32> to vector<1000x128xf32>
    %add3A_29 = arith.addf %mul3A_24, %add3A_28 : vector<1000x128xf32>
    %iota3A = tpu.iota {dimensions = array<i32: 1>} : vector<1000x128xi32>
    %lt3A = arith.constant 40 : i32
    %lt3A_30 = vector.broadcast %lt3A : i32 to vector<1000x128xi32>
    %lt3A_31 = arith.cmpi slt, %iota3A, %lt3A_30 : vector<1000x128xi32>
    %jit3A = arith.constant -1.000000e+30 : f32
    %broadcast_in_dim3A = vector.broadcast %jit3A : f32 to vector<1000x128xf32>
    %select_n3A = arith.select %lt3A_31, %add3A_29, %broadcast_in_dim3A : vector<1000x128xi1>, vector<1000x128xf32>
    %reduce_max3A = arith.constant dense<0xFF800000> : vector<1000xf32>
    %reduce_max3A_32 = vector.multi_reduction <maximumf>, %select_n3A, %reduce_max3A [1] : vector<1000x128xf32> to vector<1000xf32>
    %broadcast_in_dim3A_33 = vector.shape_cast %reduce_max3A_32 : vector<1000xf32> to vector<1000x1xf32>
    %sub3A = vector.broadcast %broadcast_in_dim3A_33 : vector<1000x1xf32> to vector<1000x128xf32>
    %sub3A_34 = arith.subf %add3A_29, %sub3A : vector<1000x128xf32>
    %exp3A = math.exp %sub3A_34 : vector<1000x128xf32>
    %jit3A_35 = arith.constant 0.000000e+00 : f32
    %broadcast_in_dim3A_36 = vector.broadcast %jit3A_35 : f32 to vector<1000x128xf32>
    %select_n3A_37 = arith.select %lt3A_31, %exp3A, %broadcast_in_dim3A_36 : vector<1000x128xi1>, vector<1000x128xf32>
    %reduce_sum3A = arith.constant dense<0.000000e+00> : vector<1000xf32>
    %reduce_sum3A_38 = vector.multi_reduction <add>, %select_n3A_37, %reduce_sum3A [1] : vector<1000x128xf32> to vector<1000xf32>
    %broadcast_in_dim3A_39 = vector.shape_cast %reduce_sum3A_38 : vector<1000xf32> to vector<1000x1xf32>
    %log3A = math.log %broadcast_in_dim3A_39 : vector<1000x1xf32>
    %sub3A_40 = vector.broadcast %broadcast_in_dim3A_33 : vector<1000x1xf32> to vector<1000x128xf32>
    %sub3A_41 = arith.subf %add3A_29, %sub3A_40 : vector<1000x128xf32>
    %sub3A_42 = vector.broadcast %log3A : vector<1000x1xf32> to vector<1000x128xf32>
    %sub3A_43 = arith.subf %sub3A_41, %sub3A_42 : vector<1000x128xf32>
    %slice3A_44 = vector.extract_strided_slice %sub3A_43 {offsets = [0, 0], sizes = [1000, 40], strides = [1, 1]} : vector<1000x128xf32> to vector<1000x40xf32>
    %swap3A = arith.constant 0 : index
    %swap3A_45 = arith.constant 0 : index
    %swap3A_46 = vector.load %arg5[%swap3A, %swap3A_45] : memref<1000x40xf32, #tpu.memory_space<vmem>>, vector<1000x40xf32>
    tpu.vector_store %arg5[%swap3A, %swap3A_45], %slice3A_44 {strides = array<i32>} : memref<1000x40xf32, #tpu.memory_space<vmem>>, vector<1000x40xf32>,
    return
  }
  func.func @transform_0(%arg0: i32) -> (i32, i32, i32) {
    %c0_i32 = arith.constant 0 : i32
    %c0_i32_0 = arith.constant 0 : i32
    %c0_i32_1 = arith.constant 0 : i32
    return %c0_i32, %arg0, %c0_i32_0 : i32, i32, i32
  }
  func.func @transform_1(%arg0: i32) -> (i32, i32) {
    %c0_i32 = arith.constant 0 : i32
    %c0_i32_0 = arith.constant 0 : i32
    return %arg0, %c0_i32 : i32, i32
  }
  func.func @transform_2(%arg0: i32) -> (i32, i32, i32) {
    %c0_i32 = arith.constant 0 : i32
    %c0_i32_0 = arith.constant 0 : i32
    %c0_i32_1 = arith.constant 0 : i32
    return %c0_i32, %arg0, %c0_i32_0 : i32, i32, i32
  }
  func.func @transform_3(%arg0: i32) -> (i32, i32) {
    %c0_i32 = arith.constant 0 : i32
    %c0_i32_0 = arith.constant 0 : i32
    %c0_i32_1 = arith.constant 0 : i32
    return %c0_i32, %c0_i32_0 : i32, i32
  }
  func.func @transform_4(%arg0: i32) -> (i32, i32) {
    %c0_i32 = arith.constant 0 : i32
    %c0_i32_0 = arith.constant 0 : i32
    return %arg0, %c0_i32 : i32, i32
  }
}

</mosaic_0001>

<sc_bundles>
// kernel: kernel.11.cloned.1.call-start
scs
__scs_entry_jumppad:
0x0: {  	(pc) =	sbr.rel $0x88, $3  }
0x1: {  	(tag) =	ssettag $0x0;
	lr =	simm.s32 $0x1  }
0x2: {  	[smem:$0x3F8F] =	sst lr;
	_ =	strace $0xD0000000  }
0x3: {  	_ = 	snop  }
0x4: {  	_ = 	snop  }
0x5: {  	_ = 	snop  }
0x6: {  	_ = 	snop  }
0x7: {  	_ = 	snop  }
__scs_overlays_trampoline_lowered:
0x8: {  	[smem:$0x3F9E] =	sst s0  }
0x9: {  	[smem:$0x3F9F] =	sst s1  }
0xa: {  	[smem:$0x3FA0] =	sst s2  }
0xb: {  	[smem:$0x3FA1] =	sst s3  }
0xc: {  	[smem:$0x3FA2] =	sst s4  }
0xd: {  	[smem:$0x3FA3] =	sst s5  }
0xe: {  	[smem:$0x3FA4] =	sst s6  }
0xf: {  	[smem:$0x3FA5] =	sst s7  }
0x10: {  	[smem:$0x3FA6] =	sst s8  }
0x11: {  	[smem:$0x3FA7] =	sst s9;
	s0 =	simm.s32 @!p0 $0x0  }
0x12: {  	s1 =	sld [smem:$0x3F8D];
	s0 =	simm.s32 @p0 $0x1  }
0x13: {  	[smem:$0x3FA8] =	sst s0;
	s0 =	simm.s32 @!p1 $0x0  }
0x14: {  	s2 =	sld [smem:$0x3F8C];
	s0 =	simm.s32 @p1 $0x1  }
0x15: {  	[smem:$0x3FA9] =	sst s0;
	s0 =	simm.s32 @!p2 $0x0  }
0x16: {  	s3 =	sld [smem:$0x3FDB];
	s0 =	simm.s32 @p2 $0x1  }
0x17: {  	s4 =	simm.s32 $0x1BF5;
	[smem:$0x3FAB] =	sst s0  }
0x18: {  	s0 =	sld [smem:$0x3F8E];
	_ =	swait.ge [sflag:s4], $0x0  }
0x19: {  	s7 =	sld [smem:$0x3F8F]  }
0x1a: {  	s8 =	sadd.s32 $0xFFFFE003, lr  }
0x1b: {  	s9 =	sadd.s32 $0xFFFFFEF7, lr;
	s5 =	simm.s32 $0xFFFFFFFF;
	p2 =	slt.u32 s8, $0xFFFFF086  }
0x1c: {  	p1 =	slt.u32 s9, $0xF7A;
	s5 =	simm.s32 @!p2 $0x0  }
0x1d: {  	s5 =	simm.s32 @p1 $0x1;
	p0 =	seq.s32 s7, s2  }
0x1e: {  	s7 =	smul.u32 @!p0 $0xF7A, s2;
	p2 =	seq.s32 @!p0 s5, $0x0  }
0x1f: {  	s9 =	smul.u32 $0xF7A, s1;
	s8 =	simm.s32 @!p0 $0x1BF5;
	p2 =	por !p2, p0  }
0x20: {  	[sflag:s8] =	ssyncset.s32 @!p0 $0xFFFFF086;
	s6 =	sadd.s32 @!p0 s3, s7;
	s7 =	simm.s32 @!p0 $0x108  }
0x21: {  	s3 =	sadd.s32 s3, s9;
	s6 =	sadd.s32 @!p0 $0x88, s6;
	s7 =	simm.s32 @p2 $0x1082  }
0x22: {  	[simem:s7], [sflag:s8] =	dma.local @!p0 [hbm:s6], $0xF7A  }
0x23: {  	s9 =	sor.u32 $0xD0000000, s2;
	s6 =	simm.s32 $0x108;
	_ =	swait.ge @!p0 [sflag:s8], $0x0  }
0x24: {  	s3 =	sadd.s32 $0x88, s3;
	s6 =	simm.s32 @!p1 $0x1082;
	[sflag:s4] =	ssyncset.s32 $0xFFFFF086  }
0x25: {  	[simem:s6], [sflag:s4] =	dma.local [hbm:s3], $0xF7A  }
0x26: {  	[smem:$0x3F8F] =	sst s1;
	(tag) =	ssettag s2;
	_ =	strace s9  }
0x27: {  	s1 =	sld [smem:$0x3F9F]  }
0x28: {  	s2 =	sld [smem:$0x3FA0]  }
0x29: {  	s4 =	sld [smem:$0x3FA2]  }
0x2a: {  	p0 =	seq.s32 s5, $0x0;
	s5 =	sld [smem:$0x3FA3]  }
0x2b: {  	s6 =	sld [smem:$0x3FA4]  }
0x2c: {  	s7 =	sld [smem:$0x3FA5]  }
0x2d: {  	s3 =	simm.s32 $0x108;
	s8 =	sld [smem:$0x3FA6]  }
0x2e: {  	s3 =	simm.s32 @!p0 $0x1082;
	s9 =	sld [smem:$0x3FA7]  }
0x2f: {  	lr =	sadd.s32 s0, s3;
	s0 =	sld [smem:$0x3F9E]  }
0x30: {  	s3 =	sld [smem:$0x3FA1]  }
0x31: {  	[smem:$0x3FAA] =	sst s10  }
0x32: {  	s10 =	sld [smem:$0x3FA8];
	_ =	sdelay $0x3  }
0x33: {  	p0 =	seq.s32 s10, $0x1;
	s10 =	sld [smem:$0x3FAA];
	_ =	sdelay $0x3  }
0x34: {  	[smem:$0x3FAA] =	sst s10  }
0x35: {  	s10 =	sld [smem:$0x3FA9];
	_ =	sdelay $0x3  }
0x36: {  	p1 =	seq.s32 s10, $0x1;
	s10 =	sld [smem:$0x3FAA];
	_ =	sdelay $0x3  }
0x37: {  	[smem:$0x3FAA] =	sst s10  }
0x38: {  	s10 =	sld [smem:$0x3FAB]  }
0x39: {  	_ = 	snop;
	(pc) =	sbr.ind lr, $3  }
0x3a: {  	_ = 	snop  }
0x3b: {  	_ = 	snop  }
0x3c: {  	p2 =	seq.s32 s10, $0x1;
	s10 =	sld [smem:$0x3FAA]  }
0x3d: {  	_ =	shalt  }
0x3e: {  	_ =	shalt  }
0x3f: {  	_ =	shalt  }
0x40: {  	_ =	shalt  }
0x41: {  	_ =	shalt  }
0x42: {  	_ =	shalt  }
0x43: {  	_ =	shalt  }
0x44: {  	_ =	shalt  }
0x45: {  	_ =	shalt  }
0x46: {  	_ =	shalt  }
0x47: {  	_ =	shalt  }
0x48: {  	_ =	shalt  }
0x49: {  	_ =	shalt  }
0x4a: {  	_ =	shalt  }
0x4b: {  	_ =	shalt  }
0x4c: {  	_ =	shalt  }
0x4d: {  	_ =	shalt  }
0x4e: {  	_ =	shalt  }
0x4f: {  	_ =	shalt  }
0x50: {  	_ =	shalt  }
0x51: {  	_ =	shalt  }
0x52: {  	_ =	shalt  }
0x53: {  	_ =	shalt  }
0x54: {  	_ =	shalt  }
0x55: {  	_ =	shalt  }
0x56: {  	_ =	shalt  }
0x57: {  	_ =	shalt  }
0x58: {  	_ =	shalt  }
0x59: {  	_ =	shalt  }
0x5a: {  	_ =	shalt  }
0x5b: {  	_ =	shalt  }
0x5c: {  	_ =	shalt  }
0x5d: {  	_ =	shalt  }
0x5e: {  	_ =	shalt  }
0x5f: {  	_ =	shalt  }
0x60: {  	_ =	shalt  }
0x61: {  	_ =	shalt  }
0x62: {  	_ =	shalt  }
0x63: {  	_ =	shalt  }
0x64: {  	_ =	shalt  }
0x65: {  	_ =	shalt  }
0x66: {  	_ =	shalt  }
0x67: {  	_ =	shalt  }
0x68: {  	_ =	shalt  }
0x69: {  	_ =	shalt  }
0x6a: {  	_ =	shalt  }
0x6b: {  	_ =	shalt  }
0x6c: {  	_ =	shalt  }
0x6d: {  	_ =	shalt  }
0x6e: {  	_ =	shalt  }
0x6f: {  	_ =	shalt  }
0x70: {  	_ =	shalt  }
0x71: {  	_ =	shalt  }
0x72: {  	_ =	shalt  }
0x73: {  	_ =	shalt  }
0x74: {  	_ =	shalt  }
0x75: {  	_ =	shalt  }
0x76: {  	_ =	shalt  }
0x77: {  	_ =	shalt  }
0x78: {  	_ =	shalt  }
0x79: {  	_ =	shalt  }
0x7a: {  	_ =	shalt  }
0x7b: {  	_ =	shalt  }
0x7c: {  	_ =	shalt  }
0x7d: {  	_ =	shalt  }
0x7e: {  	_ =	shalt  }
0x7f: {  	_ =	shalt  }
0x80: {  	_ =	shalt  }
0x81: {  	_ =	shalt  }
0x82: {  	_ =	shalt  }
0x83: {  	_ =	shalt  }
0x84: {  	_ =	shalt  }
0x85: {  	_ =	shalt  }
0x86: {  	_ =	shalt  }
0x87: {  	_ =	shalt  }
.Lfunc_end0:
.L_simem_size_0:
called_computation.1_lowered:
.L_overlay_start_0:
0x88: {  	s2 =	sld [smem:$0x3FD9]  }
0x89: {  	s3 =	sld [smem:$0x3FFE];
	_ =	sdelay $0x1  }
0x8a: {  	s1 =	srdreg.scid  }
0x8b: {  	s0 =	sand.u32 $0x1, s1  }
0x8c: {  	s17 =	sshll.u32 s0, $0xA;
	s2 =	sadd.s32 s3, s2  }
0x8d: {  	s2 =	sadd.s32 s2, s17  }
0x8e: {  	[smem:$0x3FB6] =	sst s2  }
0x8f: {  	_ = 	snop  }
0x90: {  	s2 =	sld [smem:$0x3FD0];
	(tm) =	ssettm $0x1  }
0x91: {  	s18 =	sld [smem:$0x3FFB];
	_ =	sdelay $0x3  }
0x92: {  	_ =	strace s18  }
0x93: {  	s3 =	sld [smem:$0x3FFC];
	_ =	sdelay $0x3  }
0x94: {  	_ =	strace s3  }
0x95: {  	s3 =	sld [smem:$0x3FFD];
	_ =	sdelay $0x3  }
0x96: {  	_ =	strace s3  }
0x97: {  	_ =	strace $0x8FFFFFFF  }
0x98: {  	s19 =	sld [smem:$0x3FDB];
	_ =	sdelay $0x1  }
0x99: {  	s4 =	simm.s32 $_scs_section_size  }
0x9a: {  	s5 =	simm.s32 $_size__tile_overlayer_lowered;
	s6 =	simm.s32 $_tile_overlayer_lowered  }
0x9b: {  	s22 =	simm.s32 $0x1BFF;
	s21 =	sshll.u32 s6, $0x1;
	s3 =	sadd.s32 s4, s19  }
0x9c: {  	s7 =	simm.s32 $0x0;
	s20 =	sshll.u32 s5, $0x1;
	s5 =	sadd.s32 s21, s3  }
0x9d: {  	[timem:s7], [sflag:s22] =	dma.local [hbm:s5], s20  }
0x9e: {  	_ =	swait.ge [sflag:s22], s20  }
0x9f: {  	s4 =	ssub.s32 $0x0, s20;
	[sflag:s22] =	ssyncset.done $0x0  }
0xa0: {  	[sflag:s22] =	ssyncadd.s32 s4;
	_ =	sdelay $0x1  }
0xa1: {  	s23 =	simm.s32 $0x1B8B  }
0xa2: {  	_ =	swait.ge [sflag:s23], $0x1  }
0xa3: {  	[sflag:s23] =	ssyncset.done $0x0  }
0xa4: {  	s25 =	simm.s32 $0x1B8E;
	s24 =	sld [smem:$0x3FFE];
	[sflag:s23] =	ssyncadd.s32 $0xFFFFFFFF  }
0xa5: {  	s26 =	simm.s32 $execute0_lowered;
	[smem:$0x3FD2] =	sst s25  }
0xa6: {  	s5 =	sshll.u32 s26, $0x1;
	_ =	strace $0x80000049;
	[dreg:$0x1] =	wrdreg $0xFFFFFFFF  }
0xa7: {  	s28 =	simm.s32 $_size_execute0_lowered;
	s3 =	sadd.s32 s3, s5;
	[dreg:$0x0] =	wrdreg $0x0  }
0xa8: {  	s5 =	sshll.u32 s28, $0x1;
	[dreg:$0x2] =	wrdreg s3  }
0xa9: {  	[dreg:$0x3] =	wrdreg s5  }
0xaa: {  	[dreg:$0x4] =	wrdreg $0xC0  }
0xab: {  	_ =	task [dreg:s7], $0x5FFFF  }
0xac: {  	[dreg:$0x1] =	wrdreg $0xFFFFFFFF  }
0xad: {  	[dreg:$0x0] =	wrdreg $0x60  }
0xae: {  	[dreg:$0x2] =	wrdreg s24  }
0xaf: {  	[dreg:$0x3] =	wrdreg s2  }
0xb0: {  	[dreg:$0x4] =	wrdreg $0xA8000  }
0xb1: {  	[dreg:$0x5] =	wrdreg $0x9  }
0xb2: {  	_ =	task.clear_ibuf [dreg:s7], $0x6FFFF;
	_ =	strace $0x90000049  }
0xb3: {  	s29 =	simm.s32 $0x9;
	_ =	strace $0x8000004B  }
0xb4: {  	_ =	swait.ge [sflag:s29], $0x1  }
0xb5: {  	[sflag:s29] =	ssyncadd.s32 $0xFFFFFFFF  }
0xb6: {  	_ =	strace $0x9000004B  }
0xb7: {  	_ =	sfence  }
0xb8: {  	s30 =	sld [smem:$0x0];
	_ =	sdelay $0x2  }
0xb9: {  	s31 =	sshll.u32 s1, $0xD;
	s1 =	sshrl.u32 s1, $0x2  }
0xba: {  	s3 =	sand.u32 $0x4000, s31;
	s1 =	sadd.s32 s1, s30  }
0xbb: {  	s0 =	sor.u32 s3, s0;
	s1 =	sshll.u32 s1, $0x11  }
0xbc: {  	s0 =	sor.u32 s1, s0  }
0xbd: {  	s0 =	sadd.s32 $0x8F2B, s0  }
0xbe: {  	[sflag:s0] =	ssyncadd.remote.s32 $0x1  }
0xbf: {  	_ =	sfence.sel $0xFFFF  }
0xc0: {  	[dreg:$0x0] =	wrdreg $0xFFFFFFFF;
	(pc) =	sbr.abs _section_cstart, $3  }
0xc1: {  	[dreg:$0x1] =	wrdreg $0xFFFFFFFF  }
0xc2: {  	_ =	task.clear_ibuf [dreg:s7], $0x2FFFF;
	_ =	strace $0x9FFFFFFF  }
0xc3: {  	(tm) =	ssettm $0x7FFFFFFF  }
tec
execute0_lowered:
.L_overlay_start_1:
0x0: {  	(tag) =	ssettag $0x1  }
0x1: {  	s6 =	rddreg [dreg:$0x0]  }
0x2: {  	s10 =	rddreg [dreg:$0x1]  }
0x3: {  	s1 =	rddreg [dreg:$0x2]  }
0x4: {  	s0 =	rddreg [dreg:$0x3];
	s3 =	simm.s32 $0x0;
	s2 =	srdreg.scid  }
0x5: {  	s16 =	simm.s32 $0x80;
	s17 =	simm.s32 $0x2800;
	s18 =	simm.s32 $0x1  }
0x6: {  	s19 =	simm.s32 $0x6800;
	s20 =	simm.s32 $0x1380;
	s5 =	sand.u32 $0x1, s2  }
0x7: {  	s21 =	simm.s32 $0x2700;
	s2 =	stileid.u32;
	s7 =	smul.u32 $0x140000, s5  }
0x8: {  	s22 =	simm.s32 $0x2780;
	s23 =	simm.s32 $0x0;
	s8 =	smul.u32 $0x14000, s2  }
0x9: {  	[smem:$0x7FF] =	sst s3;
	s4 =	sadd.s32 $0xFC00, s6;
	s11 =	smul.u32 $0x500, s5  }
0xa: {  	s9 =	sadd.s32 $0x3400, s6;
	_ =	strace $0x8000004A;
	s12 =	smul.u32 $0x50, s2  }
0xb: {  	s28 =	ssub.s32 $0x2, s5;
	s14 =	smul.u32 $0x50000, s2;
	s5 =	sadd.s32 $0xD400, s6  }
0xc: {  	s31 =	sshll.u32 s2, $0x6;
	s13 =	sshrl.u32 s28, $0x1;
	s7 =	sadd.s32 s8, s7  }
0xd: {  	s13 =	ssub.s32 s28, s13;
	s29 =	sadd.s32 s12, s11;
	s30 =	sshrl.u32 s14, $0x2  }
0xe: {  	s7 =	sshrl.u32 s7, $0x3;
	s14 =	sadd.s32 s30, s1;
	s11 =	sshll.u32 s29, $0x4  }
0xf: {  	s12 =	smax.u32 s13, $0x1;
	s15 =	sadd.s32 s7, s6;
	s6 =	sor.u32 $0x1C02, s31  }
0x10: {  	s7 =	sadd.s32 s9, s11;
	s8 =	sadd.s32 s10, s11;
	s11 =	sadd.s32 $0x280, s11  }
0x11: {  	s13 =	sshrl.u32 s14, $0x3;
	s14 =	simm.s32 $0x2;
	s9 =	sadd.s32 s9, s11  }
0x12: {  	s10 =	sadd.s32 s10, s11;
	s11 =	sadd.s32 $0x36E00, s15;
	s15 =	simm.s32 $0x1400  }
.LBB2_1:
0x13: {  	[spmem:s13], [sflag:s6] =	dma.local [hbm:s5], $0x2800  }
0x14: {  	_ =	swait.ge [sflag:s14], $0x2800  }
0x15: {  	[sflag:s14] =	ssyncset.done $0x0  }
0x16: {  	[sflag:s14] =	ssyncadd.s32 $0xFFFFD800  }
0x17: {  	[bflag:$0x0] =	sbarrier.arrive $0xFFFF  }
0x18: {  	[tilespmem:s3], [sflag:$0x2] =	stream.linear.gather [hbm4b:s7+s3], $0x1400, $0x38;
	[tilespmem:$0x1E800] =	vst v63  }
0x19: {  	_ =	swait.ge [sflag:s14], $0x1400  }
0x1a: {  	[sflag:s14] =	ssyncset.done $0x0  }
0x1b: {  	[sflag:s14] =	ssyncadd.s32 $0xFFFFEC00  }
0x1c: {  	[tilespmem:s15], [sflag:$0x2] =	stream.linear.gather [hbm4b:s8+s3], $0x1400, $0x38;
	[tilespmem:$0x1E800] =	vst v63  }
0x1d: {  	_ =	swait.ge [sflag:s14], $0x1400  }
0x1e: {  	[sflag:s14] =	ssyncset.done $0x0  }
0x1f: {  	[sflag:s14] =	ssyncadd.s32 $0xFFFFEC00  }
0x20: {  	[tilespmem:s17], [sflag:$0x1] =	stream.indirect.gather [hbm4b:s4+s16], $0x80, s3, s16, $0xb8;
	[tilespmem:$0x1E800] =	vst v63  }
0x21: {  	_ =	swait.ge [sflag:s18], $0x4000  }
0x22: {  	[sflag:s18] =	ssyncset.done $0x0  }
0x23: {  	s24 =	simm.s32 $0x80;
	[sflag:s18] =	ssyncadd.s32 $0xFFFFC000  }
0x24: {  	[tilespmem:s19], [sflag:$0x1] =	stream.indirect.gather [hbm4b:s4+s16], $0x80, s24, s16, $0xb8;
	[tilespmem:$0x1E800] =	vst v63  }
0x25: {  	s29 =	simm.s32 $0x1400  }
0x26: {  	[spmem:s1] =	stream.indirect.scatter.add.f32 [tilespmem:s17], [sflag:$0x2], $0x80, s29, s16, $0xb8;
	[tilespmem:$0x1E800] =	vst v63  }
0x27: {  	_ =	swait.ge [sflag:s14], $0x4000  }
0x28: {  	[sflag:s14] =	ssyncset.done $0x0  }
0x29: {  	[sflag:s14] =	ssyncadd.s32 $0xFFFFC000  }
0x2a: {  	_ =	swait.ge [sflag:s18], $0x4000  }
0x2b: {  	[sflag:s18] =	ssyncset.done $0x0  }
0x2c: {  	s30 =	simm.s32 $0x100;
	[sflag:s18] =	ssyncadd.s32 $0xFFFFC000  }
0x2d: {  	[tilespmem:s17], [sflag:$0x1] =	stream.indirect.gather [hbm4b:s4+s16], $0x80, s30, s16, $0xb8;
	[tilespmem:$0x1E800] =	vst v63  }
0x2e: {  	s31 =	simm.s32 $0x1480  }
0x2f: {  	[spmem:s1] =	stream.indirect.scatter.add.f32 [tilespmem:s19], [sflag:$0x2], $0x80, s31, s16, $0xb8;
	[tilespmem:$0x1E800] =	vst v63  }
0x30: {  	_ =	swait.ge [sflag:s14], $0x4000  }
0x31: {  	s24 =	simm.s32 $0x400;
	[sflag:s14] =	ssyncset.done $0x0  }
.LBB2_2:
0x32: {  	p0 =	sne.s32 s24, $0x4800  }
0x33: {  	[sflag:s14] =	ssyncadd.s32 $0xFFFFC000;
	s25 =	smov.u32 s24;
	s24 =	sadd.s32 $0x400, s24  }
0x34: {  	_ = 	snop  }
0x35: {  	_ =	swait.ge [sflag:s18], $0x4000  }
0x36: {  	s25 =	sshra.s32 s25, $0x2;
	[sflag:s18] =	ssyncset.done $0x0  }
0x37: {  	s26 =	sadd.s32 $0x80, s25;
	[sflag:s18] =	ssyncadd.s32 $0xFFFFC000  }
0x38: {  	[tilespmem:s19], [sflag:$0x1] =	stream.indirect.gather [hbm4b:s4+s16], $0x80, s26, s16, $0xb8;
	[tilespmem:$0x1E800] =	vst v63  }
0x39: {  	s26 =	sadd.s32 $0x1400, s25  }
0x3a: {  	[spmem:s1] =	stream.indirect.scatter.add.f32 [tilespmem:s17], [sflag:$0x2], $0x80, s26, s16, $0xb8;
	[tilespmem:$0x1E800] =	vst v63  }
0x3b: {  	_ =	swait.ge [sflag:s14], $0x4000  }
0x3c: {  	[sflag:s14] =	ssyncset.done $0x0  }
0x3d: {  	[sflag:s14] =	ssyncadd.s32 $0xFFFFC000  }
0x3e: {  	_ =	swait.ge [sflag:s18], $0x4000  }
0x3f: {  	[sflag:s18] =	ssyncset.done $0x0  }
0x40: {  	s26 =	sadd.s32 $0x100, s25;
	[sflag:s18] =	ssyncadd.s32 $0xFFFFC000  }
0x41: {  	[tilespmem:s17], [sflag:$0x1] =	stream.indirect.gather [hbm4b:s4+s16], $0x80, s26, s16, $0xb8;
	[tilespmem:$0x1E800] =	vst v63  }
.Ltmp0:
0x42: {  	_ = 	snop;
	(pc) =	sbr.rel @p0 .LBB2_2-.Ltmp0, $4  }
0x43: {  	s25 =	sadd.s32 $0x1480, s25  }
0x44: {  	[spmem:s1] =	stream.indirect.scatter.add.f32 [tilespmem:s19], [sflag:$0x2], $0x80, s25, s16, $0xb8;
	[tilespmem:$0x1E800] =	vst v63  }
0x45: {  	_ =	swait.ge [sflag:s14], $0x4000  }
0x46: {  	[sflag:s14] =	ssyncset.done $0x0  }
0x47: {  	[sflag:s14] =	ssyncadd.s32 $0xFFFFC000  }
0x48: {  	_ =	swait.ge [sflag:s18], $0x4000  }
0x49: {  	[sflag:s18] =	ssyncset.done $0x0  }
0x4a: {  	[sflag:s18] =	ssyncadd.s32 $0xFFFFC000  }
0x4b: {  	[tilespmem:s19], [sflag:$0x1] =	stream.indirect.gather [hbm4b:s4+s16], $0x80, s20, s16, $0xb8;
	[tilespmem:$0x1E800] =	vst v63  }
0x4c: {  	_ = 	snop  }
0x4d: {  	[spmem:s1] =	stream.indirect.scatter.add.f32 [tilespmem:s17], [sflag:$0x2], $0x80, s21, s16, $0xb8;
	[tilespmem:$0x1E800] =	vst v63  }
0x4e: {  	_ =	swait.ge [sflag:s14], $0x4000  }
0x4f: {  	[sflag:s14] =	ssyncset.done $0x0  }
0x50: {  	[sflag:s14] =	ssyncadd.s32 $0xFFFFC000  }
0x51: {  	_ =	swait.ge [sflag:s18], $0x4000  }
0x52: {  	[sflag:s18] =	ssyncset.done $0x0  }
0x53: {  	[sflag:s18] =	ssyncadd.s32 $0xFFFFC000  }
0x54: {  	[spmem:s1] =	stream.indirect.scatter.add.f32 [tilespmem:s19], [sflag:$0x2], $0x80, s22, s16, $0xb8;
	[tilespmem:$0x1E800] =	vst v63  }
0x55: {  	_ =	swait.ge [sflag:s14], $0x4000  }
0x56: {  	[sflag:s14] =	ssyncset.done $0x0  }
0x57: {  	s24 =	simm.s32 $0x0;
	[sflag:s14] =	ssyncadd.s32 $0xFFFFC000  }
0x58: {  	[tilespmem:s24], [sflag:$0x2] =	stream.linear.gather [hbm4b:s9+s24], $0x1400, $0x38;
	[tilespmem:$0x1E800] =	vst v63  }
0x59: {  	_ =	swait.ge [sflag:s14], $0x1400  }
0x5a: {  	[sflag:s14] =	ssyncset.done $0x0  }
0x5b: {  	[sflag:s14] =	ssyncadd.s32 $0xFFFFEC00  }
0x5c: {  	[tilespmem:s15], [sflag:$0x2] =	stream.linear.gather [hbm4b:s10+s24], $0x1400, $0x38;
	[tilespmem:$0x1E800] =	vst v63  }
0x5d: {  	_ =	swait.ge [sflag:s14], $0x1400  }
0x5e: {  	[sflag:s14] =	ssyncset.done $0x0  }
0x5f: {  	[sflag:s14] =	ssyncadd.s32 $0xFFFFEC00  }
0x60: {  	[tilespmem:s17], [sflag:$0x1] =	stream.indirect.gather [hbm4b:s4+s16], $0x80, s24, s16, $0xb8;
	[tilespmem:$0x1E800] =	vst v63  }
0x61: {  	_ =	swait.ge [sflag:s18], $0x4000  }
0x62: {  	[sflag:s18] =	ssyncset.done $0x0  }
0x63: {  	s28 =	simm.s32 $0x80;
	[sflag:s18] =	ssyncadd.s32 $0xFFFFC000  }
0x64: {  	[tilespmem:s19], [sflag:$0x1] =	stream.indirect.gather [hbm4b:s4+s16], $0x80, s28, s16, $0xb8;
	[tilespmem:$0x1E800] =	vst v63  }
0x65: {  	s29 =	simm.s32 $0x1400  }
0x66: {  	[spmem:s1] =	stream.indirect.scatter.add.f32 [tilespmem:s17], [sflag:$0x2], $0x80, s29, s16, $0xb8;
	[tilespmem:$0x1E800] =	vst v63  }
0x67: {  	_ =	swait.ge [sflag:s14], $0x4000  }
0x68: {  	[sflag:s14] =	ssyncset.done $0x0  }
0x69: {  	[sflag:s14] =	ssyncadd.s32 $0xFFFFC000  }
0x6a: {  	_ =	swait.ge [sflag:s18], $0x4000  }
0x6b: {  	[sflag:s18] =	ssyncset.done $0x0  }
0x6c: {  	s30 =	simm.s32 $0x100;
	[sflag:s18] =	ssyncadd.s32 $0xFFFFC000  }
0x6d: {  	[tilespmem:s17], [sflag:$0x1] =	stream.indirect.gather [hbm4b:s4+s16], $0x80, s30, s16, $0xb8;
	[tilespmem:$0x1E800] =	vst v63  }
0x6e: {  	s31 =	simm.s32 $0x1480  }
0x6f: {  	[spmem:s1] =	stream.indirect.scatter.add.f32 [tilespmem:s19], [sflag:$0x2], $0x80, s31, s16, $0xb8;
	[tilespmem:$0x1E800] =	vst v63  }
0x70: {  	_ =	swait.ge [sflag:s14], $0x4000  }
0x71: {  	s24 =	simm.s32 $0x400;
	[sflag:s14] =	ssyncset.done $0x0  }
.LBB2_4:
0x72: {  	p0 =	sne.s32 s24, $0x4800  }
0x73: {  	[sflag:s14] =	ssyncadd.s32 $0xFFFFC000;
	s25 =	smov.u32 s24;
	s24 =	sadd.s32 $0x400, s24  }
0x74: {  	_ = 	snop  }
0x75: {  	_ =	swait.ge [sflag:s18], $0x4000  }
0x76: {  	s25 =	sshra.s32 s25, $0x2;
	[sflag:s18] =	ssyncset.done $0x0  }
0x77: {  	s26 =	sadd.s32 $0x80, s25;
	[sflag:s18] =	ssyncadd.s32 $0xFFFFC000  }
0x78: {  	[tilespmem:s19], [sflag:$0x1] =	stream.indirect.gather [hbm4b:s4+s16], $0x80, s26, s16, $0xb8;
	[tilespmem:$0x1E800] =	vst v63  }
0x79: {  	s26 =	sadd.s32 $0x1400, s25  }
0x7a: {  	[spmem:s1] =	stream.indirect.scatter.add.f32 [tilespmem:s17], [sflag:$0x2], $0x80, s26, s16, $0xb8;
	[tilespmem:$0x1E800] =	vst v63  }
0x7b: {  	_ =	swait.ge [sflag:s14], $0x4000  }
0x7c: {  	[sflag:s14] =	ssyncset.done $0x0  }
0x7d: {  	[sflag:s14] =	ssyncadd.s32 $0xFFFFC000  }
0x7e: {  	_ =	swait.ge [sflag:s18], $0x4000  }
0x7f: {  	[sflag:s18] =	ssyncset.done $0x0  }
0x80: {  	s26 =	sadd.s32 $0x100, s25;
	[sflag:s18] =	ssyncadd.s32 $0xFFFFC000  }
0x81: {  	[tilespmem:s17], [sflag:$0x1] =	stream.indirect.gather [hbm4b:s4+s16], $0x80, s26, s16, $0xb8;
	[tilespmem:$0x1E800] =	vst v63  }
.Ltmp1:
0x82: {  	_ = 	snop;
	(pc) =	sbr.rel @p0 .LBB2_4-.Ltmp1, $4  }
0x83: {  	s25 =	sadd.s32 $0x1480, s25  }
0x84: {  	[spmem:s1] =	stream.indirect.scatter.add.f32 [tilespmem:s19], [sflag:$0x2], $0x80, s25, s16, $0xb8;
	[tilespmem:$0x1E800] =	vst v63  }
0x85: {  	_ =	swait.ge [sflag:s14], $0x4000  }
0x86: {  	[sflag:s14] =	ssyncset.done $0x0  }
0x87: {  	[sflag:s14] =	ssyncadd.s32 $0xFFFFC000  }
0x88: {  	_ =	swait.ge [sflag:s18], $0x4000  }
0x89: {  	[sflag:s18] =	ssyncset.done $0x0  }
0x8a: {  	[sflag:s18] =	ssyncadd.s32 $0xFFFFC000  }
0x8b: {  	[tilespmem:s19], [sflag:$0x1] =	stream.indirect.gather [hbm4b:s4+s16], $0x80, s20, s16, $0xb8;
	[tilespmem:$0x1E800] =	vst v63  }
0x8c: {  	_ = 	snop  }
0x8d: {  	[spmem:s1] =	stream.indirect.scatter.add.f32 [tilespmem:s17], [sflag:$0x2], $0x80, s21, s16, $0xb8;
	[tilespmem:$0x1E800] =	vst v63  }
0x8e: {  	_ =	swait.ge [sflag:s14], $0x4000  }
0x8f: {  	[sflag:s14] =	ssyncset.done $0x0  }
0x90: {  	[sflag:s14] =	ssyncadd.s32 $0xFFFFC000  }
0x91: {  	_ =	swait.ge [sflag:s18], $0x4000  }
0x92: {  	[sflag:s18] =	ssyncset.done $0x0  }
0x93: {  	[sflag:s18] =	ssyncadd.s32 $0xFFFFC000  }
0x94: {  	[spmem:s1] =	stream.indirect.scatter.add.f32 [tilespmem:s19], [sflag:$0x2], $0x80, s22, s16, $0xb8;
	[tilespmem:$0x1E800] =	vst v63  }
0x95: {  	_ =	swait.ge [sflag:s14], $0x4000  }
0x96: {  	s23 =	sadd.s32 $0x1, s23;
	[sflag:s14] =	ssyncset.done $0x0  }
0x97: {  	p0 =	sne.s32 s23, s12;
	[sflag:s14] =	ssyncadd.s32 $0xFFFFC000  }
.Ltmp2:
0x98: {  	[bflag:$0x0] =	sbarrier.arrive $0xFFFF;
	(pc) =	sbr.rel @p0 .LBB2_1-.Ltmp2, $4  }
0x99: {  	[hbm:s11], [sflag:s6] =	dma.local [spmem:s13], $0x2800  }
0x9a: {  	_ =	swait.ge [sflag:s14], $0x2800  }
0x9b: {  	[sflag:s14] =	ssyncset.done $0x0  }
0x9c: {  	[sflag:s14] =	ssyncadd.s32 $0xFFFFD800  }
0x9d: {  	_ =	sfence.sel $0x180000  }
0x9e: {  	[bflag:$0x0] =	sbarrier.arrive $0xFFFF  }
0x9f: {  	p0 =	sne.s32 s2, $0x0;
	_ =	strace $0x9000004A  }
0xa0: {  	s0 =	sadd.s32 @!p0 $0x100000, s0;
	[bflag:$0x2] =	sbarrier.arrive $0xFFFF  }
0xa1: {  	[sflag:s0] =	ssyncadd.tile.s32 @!p0 $0x1;
	_ =	shalt  }
.Lfunc_end2:
_tile_overlayer_lowered:
.L_overlay_start_2:
0xa2: {  	(tag) =	ssettag $0x2  }
0xa3: {  	s0 =	rddreg [dreg:$0x0];
	s2 =	stileid.u32  }
0xa4: {  	s1 =	rddreg [dreg:$0x1];
	p0 =	sne.s32 s2, $0x0  }
0xa5: {  	s3 =	rddreg [dreg:$0x2];
	[bflag:$0x3] =	sbarrier.arrive $0xFFFF;
	s2 =	simm.s32 @!p0 $0x1C02  }
0xa6: {  	[timem:s3], [sflag:s2] =	dma.local @!p0 [hbm:s0], s1  }
0xa7: {  	s0 =	simm.s32 @!p0 $0x2  }
0xa8: {  	_ =	swait.ge @!p0 [sflag:s0], s1  }
0xa9: {  	s1 =	ssub.s32 @!p0 $0x0, s1;
	[sflag:s0] =	ssyncset.done @!p0 $0x0  }
0xaa: {  	[sflag:s0] =	ssyncadd.s32 @!p0 s1  }
0xab: {  	[bflag:$0x3] =	sbarrier.arrive $0xFFFF  }
0xac: {  	_ =	shalt  }

// kernel: kernel.14.cloned.1.call-start
scs
__scs_entry_jumppad:
0x0: {  	(pc) =	sbr.rel $0x88, $3  }
0x1: {  	(tag) =	ssettag $0x0;
	lr =	simm.s32 $0x1  }
0x2: {  	[smem:$0x3F8F] =	sst lr;
	_ =	strace $0xD0000000  }
0x3: {  	_ = 	snop  }
0x4: {  	_ = 	snop  }
0x5: {  	_ = 	snop  }
0x6: {  	_ = 	snop  }
0x7: {  	_ = 	snop  }
__scs_overlays_trampoline_lowered:
0x8: {  	[smem:$0x3F9E] =	sst s0  }
0x9: {  	[smem:$0x3F9F] =	sst s1  }
0xa: {  	[smem:$0x3FA0] =	sst s2  }
0xb: {  	[smem:$0x3FA1] =	sst s3  }
0xc: {  	[smem:$0x3FA2] =	sst s4  }
0xd: {  	[smem:$0x3FA3] =	sst s5  }
0xe: {  	[smem:$0x3FA4] =	sst s6  }
0xf: {  	[smem:$0x3FA5] =	sst s7  }
0x10: {  	[smem:$0x3FA6] =	sst s8  }
0x11: {  	[smem:$0x3FA7] =	sst s9;
	s0 =	simm.s32 @!p0 $0x0  }
0x12: {  	s1 =	sld [smem:$0x3F8D];
	s0 =	simm.s32 @p0 $0x1  }
0x13: {  	[smem:$0x3FA8] =	sst s0;
	s0 =	simm.s32 @!p1 $0x0  }
0x14: {  	s2 =	sld [smem:$0x3F8C];
	s0 =	simm.s32 @p1 $0x1  }
0x15: {  	[smem:$0x3FA9] =	sst s0;
	s0 =	simm.s32 @!p2 $0x0  }
0x16: {  	s3 =	sld [smem:$0x3FDB];
	s0 =	simm.s32 @p2 $0x1  }
0x17: {  	s4 =	simm.s32 $0x1BF5;
	[smem:$0x3FAB] =	sst s0  }
0x18: {  	s0 =	sld [smem:$0x3F8E];
	_ =	swait.ge [sflag:s4], $0x0  }
0x19: {  	s7 =	sld [smem:$0x3F8F]  }
0x1a: {  	s8 =	sadd.s32 $0xFFFFE003, lr  }
0x1b: {  	s9 =	sadd.s32 $0xFFFFFEF7, lr;
	s5 =	simm.s32 $0xFFFFFFFF;
	p2 =	slt.u32 s8, $0xFFFFF086  }
0x1c: {  	p1 =	slt.u32 s9, $0xF7A;
	s5 =	simm.s32 @!p2 $0x0  }
0x1d: {  	s5 =	simm.s32 @p1 $0x1;
	p0 =	seq.s32 s7, s2  }
0x1e: {  	s7 =	smul.u32 @!p0 $0xF7A, s2;
	p2 =	seq.s32 @!p0 s5, $0x0  }
0x1f: {  	s9 =	smul.u32 $0xF7A, s1;
	s8 =	simm.s32 @!p0 $0x1BF5;
	p2 =	por !p2, p0  }
0x20: {  	[sflag:s8] =	ssyncset.s32 @!p0 $0xFFFFF086;
	s6 =	sadd.s32 @!p0 s3, s7;
	s7 =	simm.s32 @!p0 $0x108  }
0x21: {  	s3 =	sadd.s32 s3, s9;
	s6 =	sadd.s32 @!p0 $0x88, s6;
	s7 =	simm.s32 @p2 $0x1082  }
0x22: {  	[simem:s7], [sflag:s8] =	dma.local @!p0 [hbm:s6], $0xF7A  }
0x23: {  	s9 =	sor.u32 $0xD0000000, s2;
	s6 =	simm.s32 $0x108;
	_ =	swait.ge @!p0 [sflag:s8], $0x0  }
0x24: {  	s3 =	sadd.s32 $0x88, s3;
	s6 =	simm.s32 @!p1 $0x1082;
	[sflag:s4] =	ssyncset.s32 $0xFFFFF086  }
0x25: {  	[simem:s6], [sflag:s4] =	dma.local [hbm:s3], $0xF7A  }
0x26: {  	[smem:$0x3F8F] =	sst s1;
	(tag) =	ssettag s2;
	_ =	strace s9  }
0x27: {  	s1 =	sld [smem:$0x3F9F]  }
0x28: {  	s2 =	sld [smem:$0x3FA0]  }
0x29: {  	s4 =	sld [smem:$0x3FA2]  }
0x2a: {  	p0 =	seq.s32 s5, $0x0;
	s5 =	sld [smem:$0x3FA3]  }
0x2b: {  	s6 =	sld [smem:$0x3FA4]  }
0x2c: {  	s7 =	sld [smem:$0x3FA5]  }
0x2d: {  	s3 =	simm.s32 $0x108;
	s8 =	sld [smem:$0x3FA6]  }
0x2e: {  	s3 =	simm.s32 @!p0 $0x1082;
	s9 =	sld [smem:$0x3FA7]  }
0x2f: {  	lr =	sadd.s32 s0, s3;
	s0 =	sld [smem:$0x3F9E]  }
0x30: {  	s3 =	sld [smem:$0x3FA1]  }
0x31: {  	[smem:$0x3FAA] =	sst s10  }
0x32: {  	s10 =	sld [smem:$0x3FA8];
	_ =	sdelay $0x3  }
0x33: {  	p0 =	seq.s32 s10, $0x1;
	s10 =	sld [smem:$0x3FAA];
	_ =	sdelay $0x3  }
0x34: {  	[smem:$0x3FAA] =	sst s10  }
0x35: {  	s10 =	sld [smem:$0x3FA9];
	_ =	sdelay $0x3  }
0x36: {  	p1 =	seq.s32 s10, $0x1;
	s10 =	sld [smem:$0x3FAA];
	_ =	sdelay $0x3  }
0x37: {  	[smem:$0x3FAA] =	sst s10  }
0x38: {  	s10 =	sld [smem:$0x3FAB]  }
0x39: {  	_ = 	snop;
	(pc) =	sbr.ind lr, $3  }
0x3a: {  	_ = 	snop  }
0x3b: {  	_ = 	snop  }
0x3c: {  	p2 =	seq.s32 s10, $0x1;
	s10 =	sld [smem:$0x3FAA]  }
0x3d: {  	_ =	shalt  }
0x3e: {  	_ =	shalt  }
0x3f: {  	_ =	shalt  }
0x40: {  	_ =	shalt  }
0x41: {  	_ =	shalt  }
0x42: {  	_ =	shalt  }
0x43: {  	_ =	shalt  }
0x44: {  	_ =	shalt  }
0x45: {  	_ =	shalt  }
0x46: {  	_ =	shalt  }
0x47: {  	_ =	shalt  }
0x48: {  	_ =	shalt  }
0x49: {  	_ =	shalt  }
0x4a: {  	_ =	shalt  }
0x4b: {  	_ =	shalt  }
0x4c: {  	_ =	shalt  }
0x4d: {  	_ =	shalt  }
0x4e: {  	_ =	shalt  }
0x4f: {  	_ =	shalt  }
0x50: {  	_ =	shalt  }
0x51: {  	_ =	shalt  }
0x52: {  	_ =	shalt  }
0x53: {  	_ =	shalt  }
0x54: {  	_ =	shalt  }
0x55: {  	_ =	shalt  }
0x56: {  	_ =	shalt  }
0x57: {  	_ =	shalt  }
0x58: {  	_ =	shalt  }
0x59: {  	_ =	shalt  }
0x5a: {  	_ =	shalt  }
0x5b: {  	_ =	shalt  }
0x5c: {  	_ =	shalt  }
0x5d: {  	_ =	shalt  }
0x5e: {  	_ =	shalt  }
0x5f: {  	_ =	shalt  }
0x60: {  	_ =	shalt  }
0x61: {  	_ =	shalt  }
0x62: {  	_ =	shalt  }
0x63: {  	_ =	shalt  }
0x64: {  	_ =	shalt  }
0x65: {  	_ =	shalt  }
0x66: {  	_ =	shalt  }
0x67: {  	_ =	shalt  }
0x68: {  	_ =	shalt  }
0x69: {  	_ =	shalt  }
0x6a: {  	_ =	shalt  }
0x6b: {  	_ =	shalt  }
0x6c: {  	_ =	shalt  }
0x6d: {  	_ =	shalt  }
0x6e: {  	_ =	shalt  }
0x6f: {  	_ =	shalt  }
0x70: {  	_ =	shalt  }
0x71: {  	_ =	shalt  }
0x72: {  	_ =	shalt  }
0x73: {  	_ =	shalt  }
0x74: {  	_ =	shalt  }
0x75: {  	_ =	shalt  }
0x76: {  	_ =	shalt  }
0x77: {  	_ =	shalt  }
0x78: {  	_ =	shalt  }
0x79: {  	_ =	shalt  }
0x7a: {  	_ =	shalt  }
0x7b: {  	_ =	shalt  }
0x7c: {  	_ =	shalt  }
0x7d: {  	_ =	shalt  }
0x7e: {  	_ =	shalt  }
0x7f: {  	_ =	shalt  }
0x80: {  	_ =	shalt  }
0x81: {  	_ =	shalt  }
0x82: {  	_ =	shalt  }
0x83: {  	_ =	shalt  }
0x84: {  	_ =	shalt  }
0x85: {  	_ =	shalt  }
0x86: {  	_ =	shalt  }
0x87: {  	_ =	shalt  }
.Lfunc_end0:
.L_simem_size_0:
called_computation.2_lowered:
.L_overlay_start_0:
0x88: {  	s2 =	sld [smem:$0x3FD9]  }
0x89: {  	s3 =	sld [smem:$0x3FFE];
	_ =	sdelay $0x1  }
0x8a: {  	s1 =	srdreg.scid  }
0x8b: {  	s0 =	sand.u32 $0x1, s1  }
0x8c: {  	s17 =	sshll.u32 s0, $0xA;
	s2 =	sadd.s32 s3, s2  }
0x8d: {  	s2 =	sadd.s32 s2, s17  }
0x8e: {  	[smem:$0x3FB6] =	sst s2  }
0x8f: {  	_ = 	snop  }
0x90: {  	s2 =	sld [smem:$0x3FD0];
	(tm) =	ssettm $0x1  }
0x91: {  	s18 =	sld [smem:$0x3FFB];
	_ =	sdelay $0x3  }
0x92: {  	_ =	strace s18  }
0x93: {  	s3 =	sld [smem:$0x3FFC];
	_ =	sdelay $0x3  }
0x94: {  	_ =	strace s3  }
0x95: {  	s3 =	sld [smem:$0x3FFD];
	_ =	sdelay $0x3  }
0x96: {  	_ =	strace s3  }
0x97: {  	_ =	strace $0x8FFFFFFF  }
0x98: {  	s19 =	sld [smem:$0x3FDB];
	_ =	sdelay $0x1  }
0x99: {  	s4 =	simm.s32 $_scs_section_size  }
0x9a: {  	s5 =	simm.s32 $_size__tile_overlayer_lowered;
	s6 =	simm.s32 $_tile_overlayer_lowered  }
0x9b: {  	s22 =	simm.s32 $0x1BFF;
	s21 =	sshll.u32 s6, $0x1;
	s3 =	sadd.s32 s4, s19  }
0x9c: {  	s7 =	simm.s32 $0x0;
	s20 =	sshll.u32 s5, $0x1;
	s5 =	sadd.s32 s21, s3  }
0x9d: {  	[timem:s7], [sflag:s22] =	dma.local [hbm:s5], s20  }
0x9e: {  	_ =	swait.ge [sflag:s22], s20  }
0x9f: {  	s4 =	ssub.s32 $0x0, s20;
	[sflag:s22] =	ssyncset.done $0x0  }
0xa0: {  	[sflag:s22] =	ssyncadd.s32 s4;
	_ =	sdelay $0x1  }
0xa1: {  	s23 =	simm.s32 $0x1B8B  }
0xa2: {  	_ =	swait.ge [sflag:s23], $0x1  }
0xa3: {  	[sflag:s23] =	ssyncset.done $0x0  }
0xa4: {  	s25 =	simm.s32 $0x1B8E;
	s24 =	sld [smem:$0x3FFE];
	[sflag:s23] =	ssyncadd.s32 $0xFFFFFFFF  }
0xa5: {  	s26 =	simm.s32 $execute0_lowered;
	[smem:$0x3FD2] =	sst s25  }
0xa6: {  	s5 =	sshll.u32 s26, $0x1;
	_ =	strace $0x8000004C;
	[dreg:$0x1] =	wrdreg $0xFFFFFFFF  }
0xa7: {  	s28 =	simm.s32 $_size_execute0_lowered;
	s3 =	sadd.s32 s3, s5;
	[dreg:$0x0] =	wrdreg $0x0  }
0xa8: {  	s5 =	sshll.u32 s28, $0x1;
	[dreg:$0x2] =	wrdreg s3  }
0xa9: {  	[dreg:$0x3] =	wrdreg s5  }
0xaa: {  	[dreg:$0x4] =	wrdreg $0xC0  }
0xab: {  	_ =	task [dreg:s7], $0x5FFFF  }
0xac: {  	[dreg:$0x1] =	wrdreg $0xFFFFFFFF  }
0xad: {  	[dreg:$0x0] =	wrdreg $0x60  }
0xae: {  	[dreg:$0x2] =	wrdreg s24  }
0xaf: {  	[dreg:$0x3] =	wrdreg s2  }
0xb0: {  	[dreg:$0x4] =	wrdreg $0xA8000  }
0xb1: {  	[dreg:$0x5] =	wrdreg $0x9  }
0xb2: {  	_ =	task.clear_ibuf [dreg:s7], $0x6FFFF;
	_ =	strace $0x9000004C  }
0xb3: {  	s29 =	simm.s32 $0x9;
	_ =	strace $0x8000004E  }
0xb4: {  	_ =	swait.ge [sflag:s29], $0x1  }
0xb5: {  	[sflag:s29] =	ssyncadd.s32 $0xFFFFFFFF  }
0xb6: {  	_ =	strace $0x9000004E  }
0xb7: {  	_ =	sfence  }
0xb8: {  	s30 =	sld [smem:$0x0];
	_ =	sdelay $0x2  }
0xb9: {  	s31 =	sshll.u32 s1, $0xD;
	s1 =	sshrl.u32 s1, $0x2  }
0xba: {  	s3 =	sand.u32 $0x4000, s31;
	s1 =	sadd.s32 s1, s30  }
0xbb: {  	s0 =	sor.u32 s3, s0;
	s1 =	sshll.u32 s1, $0x11  }
0xbc: {  	s0 =	sor.u32 s1, s0  }
0xbd: {  	s0 =	sadd.s32 $0x8F2B, s0  }
0xbe: {  	[sflag:s0] =	ssyncadd.remote.s32 $0x1  }
0xbf: {  	_ =	sfence.sel $0xFFFF  }
0xc0: {  	[dreg:$0x0] =	wrdreg $0xFFFFFFFF;
	(pc) =	sbr.abs _section_cstart, $3  }
0xc1: {  	[dreg:$0x1] =	wrdreg $0xFFFFFFFF  }
0xc2: {  	_ =	task.clear_ibuf [dreg:s7], $0x2FFFF;
	_ =	strace $0x9FFFFFFF  }
0xc3: {  	(tm) =	ssettm $0x7FFFFFFF  }
tec
execute0_lowered:
.L_overlay_start_1:
0x0: {  	(tag) =	ssettag $0x1  }
0x1: {  	s6 =	rddreg [dreg:$0x0]  }
0x2: {  	s10 =	rddreg [dreg:$0x1]  }
0x3: {  	s1 =	rddreg [dreg:$0x2]  }
0x4: {  	s0 =	rddreg [dreg:$0x3];
	s3 =	simm.s32 $0x0;
	s2 =	srdreg.scid  }
0x5: {  	s16 =	simm.s32 $0x80;
	s17 =	simm.s32 $0x2800;
	s18 =	simm.s32 $0x1  }
0x6: {  	s19 =	simm.s32 $0x6800;
	s20 =	simm.s32 $0x1380;
	s5 =	sand.u32 $0x1, s2  }
0x7: {  	s21 =	simm.s32 $0x2700;
	s2 =	stileid.u32;
	s7 =	smul.u32 $0x140000, s5  }
0x8: {  	s22 =	simm.s32 $0x2780;
	s23 =	simm.s32 $0x0;
	s8 =	smul.u32 $0x14000, s2  }
0x9: {  	[smem:$0x7FF] =	sst s3;
	s4 =	sadd.s32 $0xFC00, s6;
	s11 =	smul.u32 $0x500, s5  }
0xa: {  	s9 =	sadd.s32 $0x3400, s6;
	_ =	strace $0x8000004D;
	s12 =	smul.u32 $0x50, s2  }
0xb: {  	s28 =	ssub.s32 $0x2, s5;
	s14 =	smul.u32 $0x50000, s2;
	s5 =	sadd.s32 $0xD400, s6  }
0xc: {  	s31 =	sshll.u32 s2, $0x6;
	s13 =	sshrl.u32 s28, $0x1;
	s7 =	sadd.s32 s8, s7  }
0xd: {  	s13 =	ssub.s32 s28, s13;
	s29 =	sadd.s32 s12, s11;
	s30 =	sshrl.u32 s14, $0x2  }
0xe: {  	s7 =	sshrl.u32 s7, $0x3;
	s14 =	sadd.s32 s30, s1;
	s11 =	sshll.u32 s29, $0x4  }
0xf: {  	s12 =	smax.u32 s13, $0x1;
	s15 =	sadd.s32 s7, s6;
	s6 =	sor.u32 $0x1C02, s31  }
0x10: {  	s7 =	sadd.s32 s9, s11;
	s8 =	sadd.s32 s10, s11;
	s11 =	sadd.s32 $0x280, s11  }
0x11: {  	s13 =	sshrl.u32 s14, $0x3;
	s14 =	simm.s32 $0x2;
	s9 =	sadd.s32 s9, s11  }
0x12: {  	s10 =	sadd.s32 s10, s11;
	s11 =	sadd.s32 $0x36E00, s15;
	s15 =	simm.s32 $0x1400  }
.LBB2_1:
0x13: {  	[spmem:s13], [sflag:s6] =	dma.local [hbm:s5], $0x2800  }
0x14: {  	_ =	swait.ge [sflag:s14], $0x2800  }
0x15: {  	[sflag:s14] =	ssyncset.done $0x0  }
0x16: {  	[sflag:s14] =	ssyncadd.s32 $0xFFFFD800  }
0x17: {  	[bflag:$0x0] =	sbarrier.arrive $0xFFFF  }
0x18: {  	[tilespmem:s3], [sflag:$0x2] =	stream.linear.gather [hbm4b:s7+s3], $0x1400, $0x38;
	[tilespmem:$0x1E800] =	vst v63  }
0x19: {  	_ =	swait.ge [sflag:s14], $0x1400  }
0x1a: {  	[sflag:s14] =	ssyncset.done $0x0  }
0x1b: {  	[sflag:s14] =	ssyncadd.s32 $0xFFFFEC00  }
0x1c: {  	[tilespmem:s15], [sflag:$0x2] =	stream.linear.gather [hbm4b:s8+s3], $0x1400, $0x38;
	[tilespmem:$0x1E800] =	vst v63  }
0x1d: {  	_ =	swait.ge [sflag:s14], $0x1400  }
0x1e: {  	[sflag:s14] =	ssyncset.done $0x0  }
0x1f: {  	[sflag:s14] =	ssyncadd.s32 $0xFFFFEC00  }
0x20: {  	[tilespmem:s17], [sflag:$0x1] =	stream.indirect.gather [hbm4b:s4+s16], $0x80, s3, s16, $0xb8;
	[tilespmem:$0x1E800] =	vst v63  }
0x21: {  	_ =	swait.ge [sflag:s18], $0x4000  }
0x22: {  	[sflag:s18] =	ssyncset.done $0x0  }
0x23: {  	s24 =	simm.s32 $0x80;
	[sflag:s18] =	ssyncadd.s32 $0xFFFFC000  }
0x24: {  	[tilespmem:s19], [sflag:$0x1] =	stream.indirect.gather [hbm4b:s4+s16], $0x80, s24, s16, $0xb8;
	[tilespmem:$0x1E800] =	vst v63  }
0x25: {  	s29 =	simm.s32 $0x1400  }
0x26: {  	[spmem:s1] =	stream.indirect.scatter.add.f32 [tilespmem:s17], [sflag:$0x2], $0x80, s29, s16, $0xb8;
	[tilespmem:$0x1E800] =	vst v63  }
0x27: {  	_ =	swait.ge [sflag:s14], $0x4000  }
0x28: {  	[sflag:s14] =	ssyncset.done $0x0  }
0x29: {  	[sflag:s14] =	ssyncadd.s32 $0xFFFFC000  }
0x2a: {  	_ =	swait.ge [sflag:s18], $0x4000  }
0x2b: {  	[sflag:s18] =	ssyncset.done $0x0  }
0x2c: {  	s30 =	simm.s32 $0x100;
	[sflag:s18] =	ssyncadd.s32 $0xFFFFC000  }
0x2d: {  	[tilespmem:s17], [sflag:$0x1] =	stream.indirect.gather [hbm4b:s4+s16], $0x80, s30, s16, $0xb8;
	[tilespmem:$0x1E800] =	vst v63  }
0x2e: {  	s31 =	simm.s32 $0x1480  }
0x2f: {  	[spmem:s1] =	stream.indirect.scatter.add.f32 [tilespmem:s19], [sflag:$0x2], $0x80, s31, s16, $0xb8;
	[tilespmem:$0x1E800] =	vst v63  }
0x30: {  	_ =	swait.ge [sflag:s14], $0x4000  }
0x31: {  	s24 =	simm.s32 $0x400;
	[sflag:s14] =	ssyncset.done $0x0  }
.LBB2_2:
0x32: {  	p0 =	sne.s32 s24, $0x4800  }
0x33: {  	[sflag:s14] =	ssyncadd.s32 $0xFFFFC000;
	s25 =	smov.u32 s24;
	s24 =	sadd.s32 $0x400, s24  }
0x34: {  	_ = 	snop  }
0x35: {  	_ =	swait.ge [sflag:s18], $0x4000  }
0x36: {  	s25 =	sshra.s32 s25, $0x2;
	[sflag:s18] =	ssyncset.done $0x0  }
0x37: {  	s26 =	sadd.s32 $0x80, s25;
	[sflag:s18] =	ssyncadd.s32 $0xFFFFC000  }
0x38: {  	[tilespmem:s19], [sflag:$0x1] =	stream.indirect.gather [hbm4b:s4+s16], $0x80, s26, s16, $0xb8;
	[tilespmem:$0x1E800] =	vst v63  }
0x39: {  	s26 =	sadd.s32 $0x1400, s25  }
0x3a: {  	[spmem:s1] =	stream.indirect.scatter.add.f32 [tilespmem:s17], [sflag:$0x2], $0x80, s26, s16, $0xb8;
	[tilespmem:$0x1E800] =	vst v63  }
0x3b: {  	_ =	swait.ge [sflag:s14], $0x4000  }
0x3c: {  	[sflag:s14] =	ssyncset.done $0x0  }
0x3d: {  	[sflag:s14] =	ssyncadd.s32 $0xFFFFC000  }
0x3e: {  	_ =	swait.ge [sflag:s18], $0x4000  }
0x3f: {  	[sflag:s18] =	ssyncset.done $0x0  }
0x40: {  	s26 =	sadd.s32 $0x100, s25;
	[sflag:s18] =	ssyncadd.s32 $0xFFFFC000  }
0x41: {  	[tilespmem:s17], [sflag:$0x1] =	stream.indirect.gather [hbm4b:s4+s16], $0x80, s26, s16, $0xb8;
	[tilespmem:$0x1E800] =	vst v63  }
.Ltmp0:
0x42: {  	_ = 	snop;
	(pc) =	sbr.rel @p0 .LBB2_2-.Ltmp0, $4  }
0x43: {  	s25 =	sadd.s32 $0x1480, s25  }
0x44: {  	[spmem:s1] =	stream.indirect.scatter.add.f32 [tilespmem:s19], [sflag:$0x2], $0x80, s25, s16, $0xb8;
	[tilespmem:$0x1E800] =	vst v63  }
0x45: {  	_ =	swait.ge [sflag:s14], $0x4000  }
0x46: {  	[sflag:s14] =	ssyncset.done $0x0  }
0x47: {  	[sflag:s14] =	ssyncadd.s32 $0xFFFFC000  }
0x48: {  	_ =	swait.ge [sflag:s18], $0x4000  }
0x49: {  	[sflag:s18] =	ssyncset.done $0x0  }
0x4a: {  	[sflag:s18] =	ssyncadd.s32 $0xFFFFC000  }
0x4b: {  	[tilespmem:s19], [sflag:$0x1] =	stream.indirect.gather [hbm4b:s4+s16], $0x80, s20, s16, $0xb8;
	[tilespmem:$0x1E800] =	vst v63  }
0x4c: {  	_ = 	snop  }
0x4d: {  	[spmem:s1] =	stream.indirect.scatter.add.f32 [tilespmem:s17], [sflag:$0x2], $0x80, s21, s16, $0xb8;
	[tilespmem:$0x1E800] =	vst v63  }
0x4e: {  	_ =	swait.ge [sflag:s14], $0x4000  }
0x4f: {  	[sflag:s14] =	ssyncset.done $0x0  }
0x50: {  	[sflag:s14] =	ssyncadd.s32 $0xFFFFC000  }
0x51: {  	_ =	swait.ge [sflag:s18], $0x4000  }
0x52: {  	[sflag:s18] =	ssyncset.done $0x0  }
0x53: {  	[sflag:s18] =	ssyncadd.s32 $0xFFFFC000  }
0x54: {  	[spmem:s1] =	stream.indirect.scatter.add.f32 [tilespmem:s19], [sflag:$0x2], $0x80, s22, s16, $0xb8;
	[tilespmem:$0x1E800] =	vst v63  }
0x55: {  	_ =	swait.ge [sflag:s14], $0x4000  }
0x56: {  	[sflag:s14] =	ssyncset.done $0x0  }
0x57: {  	s24 =	simm.s32 $0x0;
	[sflag:s14] =	ssyncadd.s32 $0xFFFFC000  }
0x58: {  	[tilespmem:s24], [sflag:$0x2] =	stream.linear.gather [hbm4b:s9+s24], $0x1400, $0x38;
	[tilespmem:$0x1E800] =	vst v63  }
0x59: {  	_ =	swait.ge [sflag:s14], $0x1400  }
0x5a: {  	[sflag:s14] =	ssyncset.done $0x0  }
0x5b: {  	[sflag:s14] =	ssyncadd.s32 $0xFFFFEC00  }
0x5c: {  	[tilespmem:s15], [sflag:$0x2] =	stream.linear.gather [hbm4b:s10+s24], $0x1400, $0x38;
	[tilespmem:$0x1E800] =	vst v63  }
0x5d: {  	_ =	swait.ge [sflag:s14], $0x1400  }
0x5e: {  	[sflag:s14] =	ssyncset.done $0x0  }
0x5f: {  	[sflag:s14] =	ssyncadd.s32 $0xFFFFEC00  }
0x60: {  	[tilespmem:s17], [sflag:$0x1] =	stream.indirect.gather [hbm4b:s4+s16], $0x80, s24, s16, $0xb8;
	[tilespmem:$0x1E800] =	vst v63  }
0x61: {  	_ =	swait.ge [sflag:s18], $0x4000  }
0x62: {  	[sflag:s18] =	ssyncset.done $0x0  }
0x63: {  	s28 =	simm.s32 $0x80;
	[sflag:s18] =	ssyncadd.s32 $0xFFFFC000  }
0x64: {  	[tilespmem:s19], [sflag:$0x1] =	stream.indirect.gather [hbm4b:s4+s16], $0x80, s28, s16, $0xb8;
	[tilespmem:$0x1E800] =	vst v63  }
0x65: {  	s29 =	simm.s32 $0x1400  }
0x66: {  	[spmem:s1] =	stream.indirect.scatter.add.f32 [tilespmem:s17], [sflag:$0x2], $0x80, s29, s16, $0xb8;
	[tilespmem:$0x1E800] =	vst v63  }
0x67: {  	_ =	swait.ge [sflag:s14], $0x4000  }
0x68: {  	[sflag:s14] =	ssyncset.done $0x0  }
0x69: {  	[sflag:s14] =	ssyncadd.s32 $0xFFFFC000  }
0x6a: {  	_ =	swait.ge [sflag:s18], $0x4000  }
0x6b: {  	[sflag:s18] =	ssyncset.done $0x0  }
0x6c: {  	s30 =	simm.s32 $0x100;
	[sflag:s18] =	ssyncadd.s32 $0xFFFFC000  }
0x6d: {  	[tilespmem:s17], [sflag:$0x1] =	stream.indirect.gather [hbm4b:s4+s16], $0x80, s30, s16, $0xb8;
	[tilespmem:$0x1E800] =	vst v63  }
0x6e: {  	s31 =	simm.s32 $0x1480  }
0x6f: {  	[spmem:s1] =	stream.indirect.scatter.add.f32 [tilespmem:s19], [sflag:$0x2], $0x80, s31, s16, $0xb8;
	[tilespmem:$0x1E800] =	vst v63  }
0x70: {  	_ =	swait.ge [sflag:s14], $0x4000  }
0x71: {  	s24 =	simm.s32 $0x400;
	[sflag:s14] =	ssyncset.done $0x0  }
.LBB2_4:
0x72: {  	p0 =	sne.s32 s24, $0x4800  }
0x73: {  	[sflag:s14] =	ssyncadd.s32 $0xFFFFC000;
	s25 =	smov.u32 s24;
	s24 =	sadd.s32 $0x400, s24  }
0x74: {  	_ = 	snop  }
0x75: {  	_ =	swait.ge [sflag:s18], $0x4000  }
0x76: {  	s25 =	sshra.s32 s25, $0x2;
	[sflag:s18] =	ssyncset.done $0x0  }
0x77: {  	s26 =	sadd.s32 $0x80, s25;
	[sflag:s18] =	ssyncadd.s32 $0xFFFFC000  }
0x78: {  	[tilespmem:s19], [sflag:$0x1] =	stream.indirect.gather [hbm4b:s4+s16], $0x80, s26, s16, $0xb8;
	[tilespmem:$0x1E800] =	vst v63  }
0x79: {  	s26 =	sadd.s32 $0x1400, s25  }
0x7a: {  	[spmem:s1] =	stream.indirect.scatter.add.f32 [tilespmem:s17], [sflag:$0x2], $0x80, s26, s16, $0xb8;
	[tilespmem:$0x1E800] =	vst v63  }
0x7b: {  	_ =	swait.ge [sflag:s14], $0x4000  }
0x7c: {  	[sflag:s14] =	ssyncset.done $0x0  }
0x7d: {  	[sflag:s14] =	ssyncadd.s32 $0xFFFFC000  }
0x7e: {  	_ =	swait.ge [sflag:s18], $0x4000  }
0x7f: {  	[sflag:s18] =	ssyncset.done $0x0  }
0x80: {  	s26 =	sadd.s32 $0x100, s25;
	[sflag:s18] =	ssyncadd.s32 $0xFFFFC000  }
0x81: {  	[tilespmem:s17], [sflag:$0x1] =	stream.indirect.gather [hbm4b:s4+s16], $0x80, s26, s16, $0xb8;
	[tilespmem:$0x1E800] =	vst v63  }
.Ltmp1:
0x82: {  	_ = 	snop;
	(pc) =	sbr.rel @p0 .LBB2_4-.Ltmp1, $4  }
0x83: {  	s25 =	sadd.s32 $0x1480, s25  }
0x84: {  	[spmem:s1] =	stream.indirect.scatter.add.f32 [tilespmem:s19], [sflag:$0x2], $0x80, s25, s16, $0xb8;
	[tilespmem:$0x1E800] =	vst v63  }
0x85: {  	_ =	swait.ge [sflag:s14], $0x4000  }
0x86: {  	[sflag:s14] =	ssyncset.done $0x0  }
0x87: {  	[sflag:s14] =	ssyncadd.s32 $0xFFFFC000  }
0x88: {  	_ =	swait.ge [sflag:s18], $0x4000  }
0x89: {  	[sflag:s18] =	ssyncset.done $0x0  }
0x8a: {  	[sflag:s18] =	ssyncadd.s32 $0xFFFFC000  }
0x8b: {  	[tilespmem:s19], [sflag:$0x1] =	stream.indirect.gather [hbm4b:s4+s16], $0x80, s20, s16, $0xb8;
	[tilespmem:$0x1E800] =	vst v63  }
0x8c: {  	_ = 	snop  }
0x8d: {  	[spmem:s1] =	stream.indirect.scatter.add.f32 [tilespmem:s17], [sflag:$0x2], $0x80, s21, s16, $0xb8;
	[tilespmem:$0x1E800] =	vst v63  }
0x8e: {  	_ =	swait.ge [sflag:s14], $0x4000  }
0x8f: {  	[sflag:s14] =	ssyncset.done $0x0  }
0x90: {  	[sflag:s14] =	ssyncadd.s32 $0xFFFFC000  }
0x91: {  	_ =	swait.ge [sflag:s18], $0x4000  }
0x92: {  	[sflag:s18] =	ssyncset.done $0x0  }
0x93: {  	[sflag:s18] =	ssyncadd.s32 $0xFFFFC000  }
0x94: {  	[spmem:s1] =	stream.indirect.scatter.add.f32 [tilespmem:s19], [sflag:$0x2], $0x80, s22, s16, $0xb8;
	[tilespmem:$0x1E800] =	vst v63  }
0x95: {  	_ =	swait.ge [sflag:s14], $0x4000  }
0x96: {  	s23 =	sadd.s32 $0x1, s23;
	[sflag:s14] =	ssyncset.done $0x0  }
0x97: {  	p0 =	sne.s32 s23, s12;
	[sflag:s14] =	ssyncadd.s32 $0xFFFFC000  }
.Ltmp2:
0x98: {  	[bflag:$0x0] =	sbarrier.arrive $0xFFFF;
	(pc) =	sbr.rel @p0 .LBB2_1-.Ltmp2, $4  }
0x99: {  	[hbm:s11], [sflag:s6] =	dma.local [spmem:s13], $0x2800  }
0x9a: {  	_ =	swait.ge [sflag:s14], $0x2800  }
0x9b: {  	[sflag:s14] =	ssyncset.done $0x0  }
0x9c: {  	[sflag:s14] =	ssyncadd.s32 $0xFFFFD800  }
0x9d: {  	_ =	sfence.sel $0x180000  }
0x9e: {  	[bflag:$0x0] =	sbarrier.arrive $0xFFFF  }
0x9f: {  	p0 =	sne.s32 s2, $0x0;
	_ =	strace $0x9000004D  }
0xa0: {  	s0 =	sadd.s32 @!p0 $0x100000, s0;
	[bflag:$0x2] =	sbarrier.arrive $0xFFFF  }
0xa1: {  	[sflag:s0] =	ssyncadd.tile.s32 @!p0 $0x1;
	_ =	shalt  }
.Lfunc_end2:
_tile_overlayer_lowered:
.L_overlay_start_2:
0xa2: {  	(tag) =	ssettag $0x2  }
0xa3: {  	s0 =	rddreg [dreg:$0x0];
	s2 =	stileid.u32  }
0xa4: {  	s1 =	rddreg [dreg:$0x1];
	p0 =	sne.s32 s2, $0x0  }
0xa5: {  	s3 =	rddreg [dreg:$0x2];
	[bflag:$0x3] =	sbarrier.arrive $0xFFFF;
	s2 =	simm.s32 @!p0 $0x1C02  }
0xa6: {  	[timem:s3], [sflag:s2] =	dma.local @!p0 [hbm:s0], s1  }
0xa7: {  	s0 =	simm.s32 @!p0 $0x2  }
0xa8: {  	_ =	swait.ge @!p0 [sflag:s0], s1  }
0xa9: {  	s1 =	ssub.s32 @!p0 $0x0, s1;
	[sflag:s0] =	ssyncset.done @!p0 $0x0  }
0xaa: {  	[sflag:s0] =	ssyncadd.s32 @!p0 s1  }
0xab: {  	[bflag:$0x3] =	sbarrier.arrive $0xFFFF  }
0xac: {  	_ =	shalt  }

// kernel: kernel.8.cloned.1.call-start
scs
__scs_entry_jumppad:
0x0: {  	(pc) =	sbr.rel $0x88, $3  }
0x1: {  	(tag) =	ssettag $0x0;
	lr =	simm.s32 $0x1  }
0x2: {  	[smem:$0x3F8F] =	sst lr;
	_ =	strace $0xD0000000  }
0x3: {  	_ = 	snop  }
0x4: {  	_ = 	snop  }
0x5: {  	_ = 	snop  }
0x6: {  	_ = 	snop  }
0x7: {  	_ = 	snop  }
__scs_overlays_trampoline_lowered:
0x8: {  	[smem:$0x3F9E] =	sst s0  }
0x9: {  	[smem:$0x3F9F] =	sst s1  }
0xa: {  	[smem:$0x3FA0] =	sst s2  }
0xb: {  	[smem:$0x3FA1] =	sst s3  }
0xc: {  	[smem:$0x3FA2] =	sst s4  }
0xd: {  	[smem:$0x3FA3] =	sst s5  }
0xe: {  	[smem:$0x3FA4] =	sst s6  }
0xf: {  	[smem:$0x3FA5] =	sst s7  }
0x10: {  	[smem:$0x3FA6] =	sst s8  }
0x11: {  	[smem:$0x3FA7] =	sst s9;
	s0 =	simm.s32 @!p0 $0x0  }
0x12: {  	s1 =	sld [smem:$0x3F8D];
	s0 =	simm.s32 @p0 $0x1  }
0x13: {  	[smem:$0x3FA8] =	sst s0;
	s0 =	simm.s32 @!p1 $0x0  }
0x14: {  	s2 =	sld [smem:$0x3F8C];
	s0 =	simm.s32 @p1 $0x1  }
0x15: {  	[smem:$0x3FA9] =	sst s0;
	s0 =	simm.s32 @!p2 $0x0  }
0x16: {  	s3 =	sld [smem:$0x3FDB];
	s0 =	simm.s32 @p2 $0x1  }
0x17: {  	s4 =	simm.s32 $0x1BF5;
	[smem:$0x3FAB] =	sst s0  }
0x18: {  	s0 =	sld [smem:$0x3F8E];
	_ =	swait.ge [sflag:s4], $0x0  }
0x19: {  	s7 =	sld [smem:$0x3F8F]  }
0x1a: {  	s8 =	sadd.s32 $0xFFFFE003, lr  }
0x1b: {  	s9 =	sadd.s32 $0xFFFFFEF7, lr;
	s5 =	simm.s32 $0xFFFFFFFF;
	p2 =	slt.u32 s8, $0xFFFFF086  }
0x1c: {  	p1 =	slt.u32 s9, $0xF7A;
	s5 =	simm.s32 @!p2 $0x0  }
0x1d: {  	s5 =	simm.s32 @p1 $0x1;
	p0 =	seq.s32 s7, s2  }
0x1e: {  	s7 =	smul.u32 @!p0 $0xF7A, s2;
	p2 =	seq.s32 @!p0 s5, $0x0  }
0x1f: {  	s9 =	smul.u32 $0xF7A, s1;
	s8 =	simm.s32 @!p0 $0x1BF5;
	p2 =	por !p2, p0  }
0x20: {  	[sflag:s8] =	ssyncset.s32 @!p0 $0xFFFFF086;
	s6 =	sadd.s32 @!p0 s3, s7;
	s7 =	simm.s32 @!p0 $0x108  }
0x21: {  	s3 =	sadd.s32 s3, s9;
	s6 =	sadd.s32 @!p0 $0x88, s6;
	s7 =	simm.s32 @p2 $0x1082  }
0x22: {  	[simem:s7], [sflag:s8] =	dma.local @!p0 [hbm:s6], $0xF7A  }
0x23: {  	s9 =	sor.u32 $0xD0000000, s2;
	s6 =	simm.s32 $0x108;
	_ =	swait.ge @!p0 [sflag:s8], $0x0  }
0x24: {  	s3 =	sadd.s32 $0x88, s3;
	s6 =	simm.s32 @!p1 $0x1082;
	[sflag:s4] =	ssyncset.s32 $0xFFFFF086  }
0x25: {  	[simem:s6], [sflag:s4] =	dma.local [hbm:s3], $0xF7A  }
0x26: {  	[smem:$0x3F8F] =	sst s1;
	(tag) =	ssettag s2;
	_ =	strace s9  }
0x27: {  	s1 =	sld [smem:$0x3F9F]  }
0x28: {  	s2 =	sld [smem:$0x3FA0]  }
0x29: {  	s4 =	sld [smem:$0x3FA2]  }
0x2a: {  	p0 =	seq.s32 s5, $0x0;
	s5 =	sld [smem:$0x3FA3]  }
0x2b: {  	s6 =	sld [smem:$0x3FA4]  }
0x2c: {  	s7 =	sld [smem:$0x3FA5]  }
0x2d: {  	s3 =	simm.s32 $0x108;
	s8 =	sld [smem:$0x3FA6]  }
0x2e: {  	s3 =	simm.s32 @!p0 $0x1082;
	s9 =	sld [smem:$0x3FA7]  }
0x2f: {  	lr =	sadd.s32 s0, s3;
	s0 =	sld [smem:$0x3F9E]  }
0x30: {  	s3 =	sld [smem:$0x3FA1]  }
0x31: {  	[smem:$0x3FAA] =	sst s10  }
0x32: {  	s10 =	sld [smem:$0x3FA8];
	_ =	sdelay $0x3  }
0x33: {  	p0 =	seq.s32 s10, $0x1;
	s10 =	sld [smem:$0x3FAA];
	_ =	sdelay $0x3  }
0x34: {  	[smem:$0x3FAA] =	sst s10  }
0x35: {  	s10 =	sld [smem:$0x3FA9];
	_ =	sdelay $0x3  }
0x36: {  	p1 =	seq.s32 s10, $0x1;
	s10 =	sld [smem:$0x3FAA];
	_ =	sdelay $0x3  }
0x37: {  	[smem:$0x3FAA] =	sst s10  }
0x38: {  	s10 =	sld [smem:$0x3FAB]  }
0x39: {  	_ = 	snop;
	(pc) =	sbr.ind lr, $3  }
0x3a: {  	_ = 	snop  }
0x3b: {  	_ = 	snop  }
0x3c: {  	p2 =	seq.s32 s10, $0x1;
	s10 =	sld [smem:$0x3FAA]  }
0x3d: {  	_ =	shalt  }
0x3e: {  	_ =	shalt  }
0x3f: {  	_ =	shalt  }
0x40: {  	_ =	shalt  }
0x41: {  	_ =	shalt  }
0x42: {  	_ =	shalt  }
0x43: {  	_ =	shalt  }
0x44: {  	_ =	shalt  }
0x45: {  	_ =	shalt  }
0x46: {  	_ =	shalt  }
0x47: {  	_ =	shalt  }
0x48: {  	_ =	shalt  }
0x49: {  	_ =	shalt  }
0x4a: {  	_ =	shalt  }
0x4b: {  	_ =	shalt  }
0x4c: {  	_ =	shalt  }
0x4d: {  	_ =	shalt  }
0x4e: {  	_ =	shalt  }
0x4f: {  	_ =	shalt  }
0x50: {  	_ =	shalt  }
0x51: {  	_ =	shalt  }
0x52: {  	_ =	shalt  }
0x53: {  	_ =	shalt  }
0x54: {  	_ =	shalt  }
0x55: {  	_ =	shalt  }
0x56: {  	_ =	shalt  }
0x57: {  	_ =	shalt  }
0x58: {  	_ =	shalt  }
0x59: {  	_ =	shalt  }
0x5a: {  	_ =	shalt  }
0x5b: {  	_ =	shalt  }
0x5c: {  	_ =	shalt  }
0x5d: {  	_ =	shalt  }
0x5e: {  	_ =	shalt  }
0x5f: {  	_ =	shalt  }
0x60: {  	_ =	shalt  }
0x61: {  	_ =	shalt  }
0x62: {  	_ =	shalt  }
0x63: {  	_ =	shalt  }
0x64: {  	_ =	shalt  }
0x65: {  	_ =	shalt  }
0x66: {  	_ =	shalt  }
0x67: {  	_ =	shalt  }
0x68: {  	_ =	shalt  }
0x69: {  	_ =	shalt  }
0x6a: {  	_ =	shalt  }
0x6b: {  	_ =	shalt  }
0x6c: {  	_ =	shalt  }
0x6d: {  	_ =	shalt  }
0x6e: {  	_ =	shalt  }
0x6f: {  	_ =	shalt  }
0x70: {  	_ =	shalt  }
0x71: {  	_ =	shalt  }
0x72: {  	_ =	shalt  }
0x73: {  	_ =	shalt  }
0x74: {  	_ =	shalt  }
0x75: {  	_ =	shalt  }
0x76: {  	_ =	shalt  }
0x77: {  	_ =	shalt  }
0x78: {  	_ =	shalt  }
0x79: {  	_ =	shalt  }
0x7a: {  	_ =	shalt  }
0x7b: {  	_ =	shalt  }
0x7c: {  	_ =	shalt  }
0x7d: {  	_ =	shalt  }
0x7e: {  	_ =	shalt  }
0x7f: {  	_ =	shalt  }
0x80: {  	_ =	shalt  }
0x81: {  	_ =	shalt  }
0x82: {  	_ =	shalt  }
0x83: {  	_ =	shalt  }
0x84: {  	_ =	shalt  }
0x85: {  	_ =	shalt  }
0x86: {  	_ =	shalt  }
0x87: {  	_ =	shalt  }
.Lfunc_end0:
.L_simem_size_0:
called_computation_lowered:
.L_overlay_start_0:
0x88: {  	s2 =	sld [smem:$0x3FD9]  }
0x89: {  	s3 =	sld [smem:$0x3FFE];
	_ =	sdelay $0x1  }
0x8a: {  	s1 =	srdreg.scid  }
0x8b: {  	s0 =	sand.u32 $0x1, s1  }
0x8c: {  	s17 =	sshll.u32 s0, $0xA;
	s2 =	sadd.s32 s3, s2  }
0x8d: {  	s2 =	sadd.s32 s2, s17  }
0x8e: {  	[smem:$0x3FB6] =	sst s2  }
0x8f: {  	_ = 	snop  }
0x90: {  	s2 =	sld [smem:$0x3FD0];
	(tm) =	ssettm $0x1  }
0x91: {  	s18 =	sld [smem:$0x3FFB];
	_ =	sdelay $0x3  }
0x92: {  	_ =	strace s18  }
0x93: {  	s3 =	sld [smem:$0x3FFC];
	_ =	sdelay $0x3  }
0x94: {  	_ =	strace s3  }
0x95: {  	s3 =	sld [smem:$0x3FFD];
	_ =	sdelay $0x3  }
0x96: {  	_ =	strace s3  }
0x97: {  	_ =	strace $0x8FFFFFFF  }
0x98: {  	s19 =	sld [smem:$0x3FDB];
	_ =	sdelay $0x1  }
0x99: {  	s4 =	simm.s32 $_scs_section_size  }
0x9a: {  	s5 =	simm.s32 $_size__tile_overlayer_lowered;
	s6 =	simm.s32 $_tile_overlayer_lowered  }
0x9b: {  	s22 =	simm.s32 $0x1BFF;
	s21 =	sshll.u32 s6, $0x1;
	s3 =	sadd.s32 s4, s19  }
0x9c: {  	s7 =	simm.s32 $0x0;
	s20 =	sshll.u32 s5, $0x1;
	s5 =	sadd.s32 s21, s3  }
0x9d: {  	[timem:s7], [sflag:s22] =	dma.local [hbm:s5], s20  }
0x9e: {  	_ =	swait.ge [sflag:s22], s20  }
0x9f: {  	s4 =	ssub.s32 $0x0, s20;
	[sflag:s22] =	ssyncset.done $0x0  }
0xa0: {  	[sflag:s22] =	ssyncadd.s32 s4;
	_ =	sdelay $0x1  }
0xa1: {  	s23 =	simm.s32 $0x1B8B  }
0xa2: {  	_ =	swait.ge [sflag:s23], $0x1  }
0xa3: {  	[sflag:s23] =	ssyncset.done $0x0  }
0xa4: {  	s25 =	simm.s32 $0x1B8E;
	s24 =	sld [smem:$0x3FFE];
	[sflag:s23] =	ssyncadd.s32 $0xFFFFFFFF  }
0xa5: {  	s26 =	simm.s32 $execute0_lowered;
	[smem:$0x3FD2] =	sst s25  }
0xa6: {  	s5 =	sshll.u32 s26, $0x1;
	_ =	strace $0x80000046;
	[dreg:$0x1] =	wrdreg $0xFFFFFFFF  }
0xa7: {  	s28 =	simm.s32 $_size_execute0_lowered;
	s3 =	sadd.s32 s3, s5;
	[dreg:$0x0] =	wrdreg $0x0  }
0xa8: {  	s5 =	sshll.u32 s28, $0x1;
	[dreg:$0x2] =	wrdreg s3  }
0xa9: {  	[dreg:$0x3] =	wrdreg s5  }
0xaa: {  	[dreg:$0x4] =	wrdreg $0xC0  }
0xab: {  	_ =	task [dreg:s7], $0x5FFFF  }
0xac: {  	[dreg:$0x1] =	wrdreg $0xFFFFFFFF  }
0xad: {  	[dreg:$0x0] =	wrdreg $0x60  }
0xae: {  	[dreg:$0x2] =	wrdreg s2  }
0xaf: {  	[dreg:$0x3] =	wrdreg s24  }
0xb0: {  	[dreg:$0x4] =	wrdreg $0x68000  }
0xb1: {  	[dreg:$0x5] =	wrdreg $0x9  }
0xb2: {  	_ =	task.clear_ibuf [dreg:s7], $0x6FFFF;
	_ =	strace $0x90000046  }
0xb3: {  	s29 =	simm.s32 $0x9;
	_ =	strace $0x80000048  }
0xb4: {  	_ =	swait.ge [sflag:s29], $0x1  }
0xb5: {  	[sflag:s29] =	ssyncadd.s32 $0xFFFFFFFF  }
0xb6: {  	_ =	strace $0x90000048  }
0xb7: {  	_ =	sfence  }
0xb8: {  	s30 =	sld [smem:$0x0];
	_ =	sdelay $0x2  }
0xb9: {  	s31 =	sshll.u32 s1, $0xD;
	s1 =	sshrl.u32 s1, $0x2  }
0xba: {  	s3 =	sand.u32 $0x4000, s31;
	s1 =	sadd.s32 s1, s30  }
0xbb: {  	s0 =	sor.u32 s3, s0;
	s1 =	sshll.u32 s1, $0x11  }
0xbc: {  	s0 =	sor.u32 s1, s0  }
0xbd: {  	s0 =	sadd.s32 $0x8F2B, s0  }
0xbe: {  	[sflag:s0] =	ssyncadd.remote.s32 $0x1  }
0xbf: {  	_ =	sfence.sel $0xFFFF  }
0xc0: {  	[dreg:$0x0] =	wrdreg $0xFFFFFFFF;
	(pc) =	sbr.abs _section_cstart, $3  }
0xc1: {  	[dreg:$0x1] =	wrdreg $0xFFFFFFFF  }
0xc2: {  	_ =	task.clear_ibuf [dreg:s7], $0x2FFFF;
	_ =	strace $0x9FFFFFFF  }
0xc3: {  	(tm) =	ssettm $0x7FFFFFFF  }
tec
execute0_lowered:
.L_overlay_start_1:
0x0: {  	(tag) =	ssettag $0x1  }
0x1: {  	s6 =	rddreg [dreg:$0x0]  }
0x2: {  	s7 =	rddreg [dreg:$0x1]  }
0x3: {  	s1 =	rddreg [dreg:$0x2];
	s2 =	srdreg.scid  }
0x4: {  	s0 =	rddreg [dreg:$0x3];
	s3 =	simm.s32 $0x0;
	s5 =	sand.u32 $0x1, s2  }
0x5: {  	s13 =	simm.s32 $0x80;
	s2 =	stileid.u32;
	s8 =	smul.u32 $0x140000, s5  }
0x6: {  	s14 =	simm.s32 $0x1;
	s15 =	simm.s32 $0x0;
	s9 =	smul.u32 $0x14000, s2  }
0x7: {  	[smem:$0x7FF] =	sst s3;
	s4 =	sadd.s32 $0xFC00, s7;
	s10 =	smul.u32 $0x5000, s5  }
0x8: {  	_ =	strace $0x80000047;
	s28 =	smul.u32 $0x500, s2;
	s11 =	ssub.s32 $0x2, s5  }
0x9: {  	s12 =	smul.u32 $0x50000, s2;
	s5 =	sadd.s32 $0xD400, s7;
	s31 =	sshll.u32 s2, $0x6  }
0xa: {  	s29 =	sshrl.u32 s11, $0x1;
	s8 =	sadd.s32 s9, s8;
	s9 =	sadd.s32 s28, s10  }
0xb: {  	s30 =	sshrl.u32 s12, $0x2;
	s10 =	simm.s32 $0x2800;
	s8 =	sshrl.u32 s8, $0x3  }
0xc: {  	s6 =	sadd.s32 s6, s9;
	s12 =	sadd.s32 s30, s1;
	s9 =	simm.s32 $0x2  }
0xd: {  	s7 =	sadd.s32 s8, s7;
	s8 =	ssub.s32 s11, s29;
	s11 =	sor.u32 $0x1C02, s31  }
0xe: {  	s12 =	sshrl.u32 s12, $0x3;
	s7 =	sadd.s32 $0x10400, s7;
	s8 =	smax.u32 s8, $0x1  }
.LBB2_1:
0xf: {  	[tilespmem:s3], [sflag:$0x2] =	stream.linear.gather [hbm4b:s6+s3], $0x2800, $0x38;
	[tilespmem:$0x1A800] =	vst v63  }
0x10: {  	_ =	swait.ge [sflag:s9], $0x2800  }
0x11: {  	[sflag:s9] =	ssyncset.done $0x0  }
0x12: {  	[sflag:s9] =	ssyncadd.s32 $0xFFFFD800  }
0x13: {  	[tilespmem:s10], [sflag:$0x2] =	stream.linear.gather [hbm4b:s4+s3], $0x4000, $0x38;
	[tilespmem:$0x1A800] =	vst v63  }
0x14: {  	_ =	swait.ge [sflag:s9], $0x4000  }
0x15: {  	[sflag:s9] =	ssyncset.done $0x0  }
0x16: {  	[sflag:s9] =	ssyncadd.s32 $0xFFFFC000  }
0x17: {  	[spmem:s12], [sflag:s11] =	dma.local [hbm:s5], $0x2800  }
0x18: {  	_ =	swait.ge [sflag:s9], $0x2800  }
0x19: {  	[sflag:s9] =	ssyncset.done $0x0  }
0x1a: {  	[sflag:s9] =	ssyncadd.s32 $0xFFFFD800  }
0x1b: {  	s16 =	simm.s32 $0x0;
	[bflag:$0x0] =	sbarrier.arrive $0xFFFF  }
0x1c: {  	[spmem:s1] =	stream.indirect.scatter.add.f32 [tilespmem:s10], [sflag:$0x1], $0x80, s16, s13, $0xb8;
	[tilespmem:$0x1A800] =	vst v63  }
0x1d: {  	s24 =	simm.s32 $0x80  }
0x1e: {  	[spmem:s1] =	stream.indirect.scatter.add.f32 [tilespmem:s10], [sflag:$0x1], $0x80, s24, s13, $0xb8;
	[tilespmem:$0x1A800] =	vst v63  }
0x1f: {  	s25 =	simm.s32 $0x100  }
0x20: {  	[spmem:s1] =	stream.indirect.scatter.add.f32 [tilespmem:s10], [sflag:$0x1], $0x80, s25, s13, $0xb8;
	[tilespmem:$0x1A800] =	vst v63  }
0x21: {  	s26 =	simm.s32 $0x180  }
0x22: {  	[spmem:s1] =	stream.indirect.scatter.add.f32 [tilespmem:s10], [sflag:$0x1], $0x80, s26, s13, $0xb8;
	[tilespmem:$0x1A800] =	vst v63  }
0x23: {  	s28 =	simm.s32 $0x200  }
0x24: {  	[spmem:s1] =	stream.indirect.scatter.add.f32 [tilespmem:s10], [sflag:$0x1], $0x80, s28, s13, $0xb8;
	[tilespmem:$0x1A800] =	vst v63  }
0x25: {  	s29 =	simm.s32 $0x280  }
0x26: {  	[spmem:s1] =	stream.indirect.scatter.add.f32 [tilespmem:s10], [sflag:$0x1], $0x80, s29, s13, $0xb8;
	[tilespmem:$0x1A800] =	vst v63  }
0x27: {  	s30 =	simm.s32 $0x300  }
0x28: {  	[spmem:s1] =	stream.indirect.scatter.add.f32 [tilespmem:s10], [sflag:$0x1], $0x80, s30, s13, $0xb8;
	[tilespmem:$0x1A800] =	vst v63  }
0x29: {  	s31 =	simm.s32 $0x380  }
0x2a: {  	[spmem:s1] =	stream.indirect.scatter.add.f32 [tilespmem:s10], [sflag:$0x1], $0x80, s31, s13, $0xb8;
	[tilespmem:$0x1A800] =	vst v63  }
0x2b: {  	_ =	swait.ge [sflag:s14], $0x4000  }
0x2c: {  	[sflag:s14] =	ssyncset.done $0x0  }
0x2d: {  	[sflag:s14] =	ssyncadd.s32 $0xFFFFC000  }
0x2e: {  	_ =	swait.ge [sflag:s14], $0x4000  }
0x2f: {  	[sflag:s14] =	ssyncset.done $0x0  }
0x30: {  	[sflag:s14] =	ssyncadd.s32 $0xFFFFC000  }
0x31: {  	_ =	swait.ge [sflag:s14], $0x4000  }
0x32: {  	[sflag:s14] =	ssyncset.done $0x0  }
0x33: {  	[sflag:s14] =	ssyncadd.s32 $0xFFFFC000  }
0x34: {  	_ =	swait.ge [sflag:s14], $0x4000  }
0x35: {  	[sflag:s14] =	ssyncset.done $0x0  }
0x36: {  	[sflag:s14] =	ssyncadd.s32 $0xFFFFC000  }
0x37: {  	_ =	swait.ge [sflag:s14], $0x4000  }
0x38: {  	[sflag:s14] =	ssyncset.done $0x0  }
0x39: {  	[sflag:s14] =	ssyncadd.s32 $0xFFFFC000  }
0x3a: {  	_ =	swait.ge [sflag:s14], $0x4000  }
0x3b: {  	[sflag:s14] =	ssyncset.done $0x0  }
0x3c: {  	[sflag:s14] =	ssyncadd.s32 $0xFFFFC000  }
0x3d: {  	_ =	swait.ge [sflag:s14], $0x4000  }
0x3e: {  	[sflag:s14] =	ssyncset.done $0x0  }
0x3f: {  	[sflag:s14] =	ssyncadd.s32 $0xFFFFC000  }
0x40: {  	_ =	swait.ge [sflag:s14], $0x4000  }
0x41: {  	s18 =	simm.s32 $0x2000;
	s16 =	simm.s32 $0x1000;
	[sflag:s14] =	ssyncset.done $0x0  }
.LBB2_2:
0x42: {  	s19 =	sshra.s32 s16, $0x2  }
0x43: {  	[sflag:s14] =	ssyncadd.s32 $0xFFFFC000;
	s16 =	smov.u32 s18;
	s17 =	sadd.s32 $0x1000, s18  }
0x44: {  	[spmem:s1] =	stream.indirect.scatter.add.f32 [tilespmem:s10], [sflag:$0x1], $0x80, s19, s13, $0xb8;
	[tilespmem:$0x1A800] =	vst v63  }
0x45: {  	p0 =	sne.s32 s18, $0x9000;
	s18 =	sadd.s32 $0x80, s19  }
0x46: {  	[spmem:s1] =	stream.indirect.scatter.add.f32 [tilespmem:s10], [sflag:$0x1], $0x80, s18, s13, $0xb8;
	[tilespmem:$0x1A800] =	vst v63  }
0x47: {  	s18 =	sadd.s32 $0x100, s19  }
0x48: {  	[spmem:s1] =	stream.indirect.scatter.add.f32 [tilespmem:s10], [sflag:$0x1], $0x80, s18, s13, $0xb8;
	[tilespmem:$0x1A800] =	vst v63  }
0x49: {  	s18 =	sadd.s32 $0x180, s19  }
0x4a: {  	[spmem:s1] =	stream.indirect.scatter.add.f32 [tilespmem:s10], [sflag:$0x1], $0x80, s18, s13, $0xb8;
	[tilespmem:$0x1A800] =	vst v63  }
0x4b: {  	s18 =	sadd.s32 $0x200, s19  }
0x4c: {  	[spmem:s1] =	stream.indirect.scatter.add.f32 [tilespmem:s10], [sflag:$0x1], $0x80, s18, s13, $0xb8;
	[tilespmem:$0x1A800] =	vst v63  }
0x4d: {  	s18 =	sadd.s32 $0x280, s19  }
0x4e: {  	[spmem:s1] =	stream.indirect.scatter.add.f32 [tilespmem:s10], [sflag:$0x1], $0x80, s18, s13, $0xb8;
	[tilespmem:$0x1A800] =	vst v63  }
0x4f: {  	s18 =	sadd.s32 $0x300, s19  }
0x50: {  	[spmem:s1] =	stream.indirect.scatter.add.f32 [tilespmem:s10], [sflag:$0x1], $0x80, s18, s13, $0xb8;
	[tilespmem:$0x1A800] =	vst v63  }
0x51: {  	s18 =	sadd.s32 $0x380, s19  }
0x52: {  	[spmem:s1] =	stream.indirect.scatter.add.f32 [tilespmem:s10], [sflag:$0x1], $0x80, s18, s13, $0xb8;
	[tilespmem:$0x1A800] =	vst v63  }
0x53: {  	_ =	swait.ge [sflag:s14], $0x4000  }
0x54: {  	[sflag:s14] =	ssyncset.done $0x0  }
0x55: {  	[sflag:s14] =	ssyncadd.s32 $0xFFFFC000  }
0x56: {  	_ =	swait.ge [sflag:s14], $0x4000  }
0x57: {  	[sflag:s14] =	ssyncset.done $0x0  }
0x58: {  	[sflag:s14] =	ssyncadd.s32 $0xFFFFC000  }
0x59: {  	_ =	swait.ge [sflag:s14], $0x4000  }
0x5a: {  	[sflag:s14] =	ssyncset.done $0x0  }
0x5b: {  	[sflag:s14] =	ssyncadd.s32 $0xFFFFC000  }
0x5c: {  	_ =	swait.ge [sflag:s14], $0x4000  }
0x5d: {  	[sflag:s14] =	ssyncset.done $0x0  }
0x5e: {  	[sflag:s14] =	ssyncadd.s32 $0xFFFFC000  }
0x5f: {  	_ =	swait.ge [sflag:s14], $0x4000  }
0x60: {  	[sflag:s14] =	ssyncset.done $0x0  }
0x61: {  	[sflag:s14] =	ssyncadd.s32 $0xFFFFC000  }
0x62: {  	_ =	swait.ge [sflag:s14], $0x4000  }
0x63: {  	[sflag:s14] =	ssyncset.done $0x0  }
0x64: {  	[sflag:s14] =	ssyncadd.s32 $0xFFFFC000  }
.Ltmp0:
0x65: {  	_ =	swait.ge [sflag:s14], $0x4000;
	(pc) =	sbr.rel @p0 .LBB2_2-.Ltmp0, $4  }
0x66: {  	[sflag:s14] =	ssyncset.done $0x0  }
0x67: {  	[sflag:s14] =	ssyncadd.s32 $0xFFFFC000  }
0x68: {  	_ =	swait.ge [sflag:s14], $0x4000  }
0x69: {  	s18 =	smov.u32 s17;
	[sflag:s14] =	ssyncset.done $0x0  }
0x6a: {  	s16 =	sshra.s32 s16, $0x2;
	[sflag:s14] =	ssyncadd.s32 $0xFFFFC000  }
0x6b: {  	[spmem:s1] =	stream.indirect.scatter.add.f32 [tilespmem:s10], [sflag:$0x1], $0x80, s16, s13, $0xb8;
	[tilespmem:$0x1A800] =	vst v63  }
0x6c: {  	s17 =	sadd.s32 $0x80, s16  }
0x6d: {  	[spmem:s1] =	stream.indirect.scatter.add.f32 [tilespmem:s10], [sflag:$0x1], $0x80, s17, s13, $0xb8;
	[tilespmem:$0x1A800] =	vst v63  }
0x6e: {  	s26 =	sadd.s32 $0x100, s16  }
0x6f: {  	[spmem:s1] =	stream.indirect.scatter.add.f32 [tilespmem:s10], [sflag:$0x1], $0x80, s26, s13, $0xb8;
	[tilespmem:$0x1A800] =	vst v63  }
0x70: {  	s28 =	sadd.s32 $0x180, s16  }
0x71: {  	[spmem:s1] =	stream.indirect.scatter.add.f32 [tilespmem:s10], [sflag:$0x1], $0x80, s28, s13, $0xb8;
	[tilespmem:$0x1A800] =	vst v63  }
0x72: {  	s29 =	sadd.s32 $0x200, s16  }
0x73: {  	[spmem:s1] =	stream.indirect.scatter.add.f32 [tilespmem:s10], [sflag:$0x1], $0x80, s29, s13, $0xb8;
	[tilespmem:$0x1A800] =	vst v63  }
0x74: {  	s30 =	sadd.s32 $0x280, s16  }
0x75: {  	[spmem:s1] =	stream.indirect.scatter.add.f32 [tilespmem:s10], [sflag:$0x1], $0x80, s30, s13, $0xb8;
	[tilespmem:$0x1A800] =	vst v63  }
0x76: {  	s31 =	sadd.s32 $0x300, s16  }
0x77: {  	[spmem:s1] =	stream.indirect.scatter.add.f32 [tilespmem:s10], [sflag:$0x1], $0x80, s31, s13, $0xb8;
	[tilespmem:$0x1A800] =	vst v63  }
0x78: {  	s16 =	sadd.s32 $0x380, s16  }
0x79: {  	[spmem:s1] =	stream.indirect.scatter.add.f32 [tilespmem:s10], [sflag:$0x1], $0x80, s16, s13, $0xb8;
	[tilespmem:$0x1A800] =	vst v63  }
0x7a: {  	_ =	swait.ge [sflag:s14], $0x4000  }
0x7b: {  	[sflag:s14] =	ssyncset.done $0x0  }
0x7c: {  	[sflag:s14] =	ssyncadd.s32 $0xFFFFC000  }
0x7d: {  	_ =	swait.ge [sflag:s14], $0x4000  }
0x7e: {  	[sflag:s14] =	ssyncset.done $0x0  }
0x7f: {  	[sflag:s14] =	ssyncadd.s32 $0xFFFFC000  }
0x80: {  	_ =	swait.ge [sflag:s14], $0x4000  }
0x81: {  	[sflag:s14] =	ssyncset.done $0x0  }
0x82: {  	[sflag:s14] =	ssyncadd.s32 $0xFFFFC000  }
0x83: {  	_ =	swait.ge [sflag:s14], $0x4000  }
0x84: {  	[sflag:s14] =	ssyncset.done $0x0  }
0x85: {  	[sflag:s14] =	ssyncadd.s32 $0xFFFFC000  }
0x86: {  	_ =	swait.ge [sflag:s14], $0x4000  }
0x87: {  	[sflag:s14] =	ssyncset.done $0x0  }
0x88: {  	[sflag:s14] =	ssyncadd.s32 $0xFFFFC000  }
0x89: {  	_ =	swait.ge [sflag:s14], $0x4000  }
0x8a: {  	[sflag:s14] =	ssyncset.done $0x0  }
0x8b: {  	[sflag:s14] =	ssyncadd.s32 $0xFFFFC000  }
0x8c: {  	_ =	swait.ge [sflag:s14], $0x4000  }
0x8d: {  	[sflag:s14] =	ssyncset.done $0x0  }
0x8e: {  	[sflag:s14] =	ssyncadd.s32 $0xFFFFC000  }
0x8f: {  	_ =	swait.ge [sflag:s14], $0x4000  }
0x90: {  	s15 =	sadd.s32 $0x1, s15;
	[sflag:s14] =	ssyncset.done $0x0  }
0x91: {  	p0 =	sne.s32 s15, s8;
	[sflag:s14] =	ssyncadd.s32 $0xFFFFC000  }
.Ltmp1:
0x92: {  	[bflag:$0x0] =	sbarrier.arrive $0xFFFF;
	(pc) =	sbr.rel @p0 .LBB2_1-.Ltmp1, $4  }
0x93: {  	[hbm:s7], [sflag:s11] =	dma.local [spmem:s12], $0x2800  }
0x94: {  	_ =	swait.ge [sflag:s9], $0x2800  }
0x95: {  	[sflag:s9] =	ssyncset.done $0x0  }
0x96: {  	[sflag:s9] =	ssyncadd.s32 $0xFFFFD800  }
0x97: {  	_ =	sfence.sel $0x180000  }
0x98: {  	[bflag:$0x0] =	sbarrier.arrive $0xFFFF  }
0x99: {  	p0 =	sne.s32 s2, $0x0;
	_ =	strace $0x90000047  }
0x9a: {  	s0 =	sadd.s32 @!p0 $0x100000, s0;
	[bflag:$0x2] =	sbarrier.arrive $0xFFFF  }
0x9b: {  	[sflag:s0] =	ssyncadd.tile.s32 @!p0 $0x1;
	_ =	shalt  }
.Lfunc_end2:
_tile_overlayer_lowered:
.L_overlay_start_2:
0x9c: {  	(tag) =	ssettag $0x2  }
0x9d: {  	s0 =	rddreg [dreg:$0x0];
	s2 =	stileid.u32  }
0x9e: {  	s1 =	rddreg [dreg:$0x1];
	p0 =	sne.s32 s2, $0x0  }
0x9f: {  	s3 =	rddreg [dreg:$0x2];
	[bflag:$0x3] =	sbarrier.arrive $0xFFFF;
	s2 =	simm.s32 @!p0 $0x1C02  }
0xa0: {  	[timem:s3], [sflag:s2] =	dma.local @!p0 [hbm:s0], s1  }
0xa1: {  	s0 =	simm.s32 @!p0 $0x2  }
0xa2: {  	_ =	swait.ge @!p0 [sflag:s0], s1  }
0xa3: {  	s1 =	ssub.s32 @!p0 $0x0, s1;
	[sflag:s0] =	ssyncset.done @!p0 $0x0  }
0xa4: {  	[sflag:s0] =	ssyncadd.s32 @!p0 s1  }
0xa5: {  	[bflag:$0x3] =	sbarrier.arrive $0xFFFF  }
0xa6: {  	_ =	shalt  }

</sc_bundles>
